<compile_context>
chip_gen: v7x
topology: tpu7x:2x2x1
jax: 0.10.2.dev20260603
libtpu: 0.0.44.dev20260713+nightly
codegen_flags: <defaults>
</compile_context>

<pallas_src>
import functools

import jax
import jax.numpy as jnp
from jax import lax
from jax.experimental import pallas as pl
from jax.experimental.pallas import tpu as pltpu
from jax.experimental.pallas import tpu_sc as plsc

N = 10000
D_IN = 128
D_OUT = 40

NC, NS, NL = 2, 16, 16
NW = NC * NS
NP = 10240
NSP = 10048
DP = 40
CHUNK = 128
ROWS_PER_TILE = NSP // NS
BN = 2560

_mesh = plsc.VectorSubcoreMesh(core_axis_name="c", subcore_axis_name="s")
_sc_params = pltpu.CompilerParams(use_tc_tiling_on_sc=False)


def _num_chunks(e_pad):
    return e_pad // (NW * CHUNK)


def _make_deg_kernel(e_pad):
    nchunks = _num_chunks(e_pad)
    depth = 8

    @functools.partial(
        pl.kernel,
        out_type=jax.ShapeDtypeStruct((NC * NP, NL), jnp.float32),
        scratch_types=[
            pltpu.VMEM_SHARED((NSP, NL), jnp.float32),
            pltpu.VMEM((CHUNK, NL), jnp.float32),
            pltpu.VMEM((nchunks, CHUNK), jnp.int32),
            pltpu.VMEM((ROWS_PER_TILE, NL), jnp.float32),
            pltpu.SemaphoreType.DMA,
        ],
        mesh=_mesh,
        compiler_params=_sc_params,
    )
    def deg_kernel(dst_hbm, ones_hbm, zeros_hbm, out_hbm,
                   deg_sp, ones_v, dst_slab, zrows_v, sem_s):
        cid = lax.axis_index("c")
        sid = lax.axis_index("s")
        wid = sid * NC + cid
        rbase = sid * ROWS_PER_TILE
        pltpu.sync_copy(ones_hbm, ones_v)
        pltpu.sync_copy(zeros_hbm, zrows_v)
        pltpu.sync_copy(zrows_v, deg_sp.at[pl.ds(rbase, ROWS_PER_TILE)])
        pltpu.sync_copy(dst_hbm.at[wid], dst_slab)
        plsc.subcore_barrier()

        def wait_one():
            pltpu.make_async_copy(zeros_hbm.at[pl.ds(0, CHUNK)], ones_v,
                                  sem_s).wait()

        def body(j, carry):
            @pl.when(j >= depth)
            def _():
                wait_one()
            pltpu.async_copy(ones_v, deg_sp.at[dst_slab.at[j]], sem_s,
                             add=True)
            return carry

        lax.fori_loop(0, nchunks, body, 0)
        for _ in range(depth):
            wait_one()
        plsc.subcore_barrier()
        pltpu.sync_copy(deg_sp.at[pl.ds(rbase, ROWS_PER_TILE)],
                        out_hbm.at[pl.ds(cid * NP + rbase, ROWS_PER_TILE)])

    return deg_kernel


NBUF = 8


def _edge_loop(nchunks, yn_ref, acc_sp, src_slab, dst_slab, rows,
               sem_g, sem_s, dummy_hbm):

    def gather(j, slot):
        pltpu.async_copy(yn_ref.at[src_slab.at[j]], rows.at[slot], sem_g)

    def scatter(j, slot):
        pltpu.async_copy(rows.at[slot], acc_sp.at[dst_slab.at[j]], sem_s,
                         add=True)

    def wait(sem):
        pltpu.make_async_copy(dummy_hbm.at[pl.ds(0, CHUNK)], rows.at[0],
                              sem).wait()

    for p in range(5):
        gather(p, p)

    def body(j, carry):
        wait(sem_g)
        scatter(j, lax.rem(j, NBUF))

        @pl.when(j >= 2)
        def _():
            wait(sem_s)

        @pl.when(j + 5 < nchunks)
        def _():
            gather(j + 5, lax.rem(j + 5, NBUF))

        return carry

    lax.fori_loop(0, nchunks, body, 0)
    wait(sem_s)
    wait(sem_s)


def _make_hop_kernel(e_pad):
    nchunks = _num_chunks(e_pad)

    @functools.partial(
        pl.kernel,
        out_type=jax.ShapeDtypeStruct((NC * NP, DP), jnp.float32),
        scratch_types=[
            pltpu.VMEM_SHARED((NSP, DP), jnp.float32),
            pltpu.VMEM_SHARED((NSP, DP), jnp.float32),
            pltpu.VMEM((nchunks, CHUNK), jnp.int32),
            pltpu.VMEM((nchunks, CHUNK), jnp.int32),
            pltpu.VMEM((NBUF, CHUNK, DP), jnp.float32),
            pltpu.SemaphoreType.DMA,
            pltpu.SemaphoreType.DMA,
        ],
        mesh=_mesh,
        compiler_params=_sc_params,
    )
    def hop_kernel(yn_hbm, src_hbm, dst_hbm, zeros_hbm, out_hbm,
                   yn_sp, acc_sp, src_slab, dst_slab, rows, sem_g, sem_s):
        cid = lax.axis_index("c")
        sid = lax.axis_index("s")
        wid = sid * NC + cid
        rbase = sid * ROWS_PER_TILE
        pltpu.sync_copy(yn_hbm.at[pl.ds(rbase, ROWS_PER_TILE)],
                        yn_sp.at[pl.ds(rbase, ROWS_PER_TILE)])
        pltpu.sync_copy(zeros_hbm, acc_sp.at[pl.ds(rbase, ROWS_PER_TILE)])
        pltpu.sync_copy(src_hbm.at[wid], src_slab)
        pltpu.sync_copy(dst_hbm.at[wid], dst_slab)
        plsc.subcore_barrier()
        _edge_loop(nchunks, yn_sp, acc_sp, src_slab, dst_slab, rows,
                   sem_g, sem_s, yn_hbm)
        plsc.subcore_barrier()
        pltpu.sync_copy(acc_sp.at[pl.ds(rbase, ROWS_PER_TILE)],
                        out_hbm.at[pl.ds(cid * NP + rbase, ROWS_PER_TILE)])

    return hop_kernel



def _deg_of(degp_ref):
    deg = degp_ref[0, :, 0:1] + degp_ref[1, :, 0:1]
    return jnp.maximum(deg, 1.0)


def _mm_scale_body(degp_ref, x_ref, w_ref, y0_ref):
    y = lax.dot_general(
        x_ref[...], w_ref[...], (((1,), (1,)), ((), ())),
        preferred_element_type=jnp.float32)
    y0_ref[...] = y * lax.rsqrt(_deg_of(degp_ref))


def _scale_mid_body(degp_ref, zp_ref, o_ref):
    z = zp_ref[0] + zp_ref[1]
    o_ref[...] = z / _deg_of(degp_ref)


def _scale_out_body(degp_ref, zp_ref, b_ref, o_ref):
    z = zp_ref[0] + zp_ref[1]
    o_ref[...] = z * lax.rsqrt(_deg_of(degp_ref)) + b_ref[...]


def _deg_spec():
    return pl.BlockSpec((NC, BN, NL), lambda i: (0, i, 0))


def _zp_spec():
    return pl.BlockSpec((NC, BN, DP), lambda i: (0, i, 0))


def _row_spec():
    return pl.BlockSpec((BN, DP), lambda i: (i, 0))


def _mm_scale(degp, xp, wp):
    return pl.pallas_call(
        _mm_scale_body, grid=(NP // BN,),
        in_specs=[_deg_spec(),
                  pl.BlockSpec((BN, D_IN), lambda i: (i, 0)),
                  pl.BlockSpec((DP, D_IN), lambda i: (0, 0))],
        out_specs=_row_spec(),
        out_shape=jax.ShapeDtypeStruct((NP, DP), jnp.float32),
    )(degp, xp, wp)


def _scale_mid(degp, zp):
    return pl.pallas_call(
        _scale_mid_body, grid=(NP // BN,),
        in_specs=[_deg_spec(), _zp_spec()],
        out_specs=_row_spec(),
        out_shape=jax.ShapeDtypeStruct((NP, DP), jnp.float32),
    )(degp, zp)


def _scale_out(degp, zp, bp):
    return pl.pallas_call(
        _scale_out_body, grid=(NP // BN,),
        in_specs=[_deg_spec(), _zp_spec(),
                  pl.BlockSpec((1, DP), lambda i: (0, 0))],
        out_specs=_row_spec(),
        out_shape=jax.ShapeDtypeStruct((NP, DP), jnp.float32),
    )(degp, zp, bp)


def kernel(features, edge_index, W, b):
    E = edge_index.shape[1]
    e_pad = ((E + NW * CHUNK - 1) // (NW * CHUNK)) * (NW * CHUNK)
    deg_kernel = _make_deg_kernel(e_pad)
    hop_kernel = _make_hop_kernel(e_pad)

    src = edge_index[0]
    dst = edge_index[1]
    if e_pad != E:
        pad_idx = jnp.full((e_pad - E,), N, jnp.int32)
        src = jnp.concatenate([src, pad_idx])
        dst = jnp.concatenate([dst, pad_idx])
    nchunks = _num_chunks(e_pad)
    src = src.reshape(NW, nchunks, CHUNK)
    dst = dst.reshape(NW, nchunks, CHUNK)

    xp = jnp.zeros((NP, D_IN), jnp.float32).at[:N].set(features)
    wp = jnp.zeros((DP, D_IN), jnp.float32).at[:D_OUT].set(W)
    bp = jnp.zeros((1, DP), jnp.float32).at[0, :D_OUT].set(b)
    ones_rows = jnp.ones((CHUNK, NL), jnp.float32)
    zeros_deg = jnp.zeros((ROWS_PER_TILE, NL), jnp.float32)
    zeros_hop = jnp.zeros((ROWS_PER_TILE, DP), jnp.float32)

    degp = deg_kernel(dst, ones_rows, zeros_deg)
    degp = degp.reshape(NC, NP, NL)

    y0 = _mm_scale(degp, xp, wp)
    z1 = hop_kernel(y0, src, dst, zeros_hop).reshape(NC, NP, DP)
    y1 = _scale_mid(degp, z1)
    z2 = hop_kernel(y1, src, dst, zeros_hop).reshape(NC, NP, DP)
    out = _scale_out(degp, z2, bp)
    return out[:N, :D_OUT]

# --- scband reference (transcript-rebuilt; emitter-appended) ---
"""Pipeline reference for scband-sgcevaluator-36438502539416 (READ-ONLY COPY).

The authoritative reference and input builder live on the scoring server;
editing this copy changes nothing except your own understanding.
"""

import jax, jax.numpy as jnp
import numpy as np

N = 10000
E = 320000
D_IN = 128
D_OUT = 40
K = 2

def setup_inputs(seed: int = 0) -> dict:
    key = jax.random.key(seed)
    k1, k2, k3, k4 = jax.random.split(key, 4)
    features = jax.random.normal(k1, (N, D_IN), dtype=jnp.float32)
    edge_index = jax.random.randint(k2, (2, E), 0, N, dtype=jnp.int32)
    # fc params of SGConv (nn.Linear(in_size, out_size))
    W = jax.random.normal(k3, (D_OUT, D_IN), dtype=jnp.float32) * 0.05
    b = jax.random.normal(k4, (D_OUT,), dtype=jnp.float32) * 0.05
    return {"features": features, "edge_index": edge_index, "W": W, "b": b}

def reference(features, edge_index, W, b):
    # DGL SGConv with k=2, cached=True, norm based on in-degrees (symmetric assumption)
    src = edge_index[0]
    dst = edge_index[1]
    deg = jnp.zeros((N,), dtype=jnp.float32).at[dst].add(1.0)
    deg = jnp.clip(deg, 1.0, None)
    norm = (deg ** -0.5)[:, None]
    feat = features
    for _ in range(K):
        feat = feat * norm
        # message passing: copy_u -> sum over destination nodes (scatter-add)
        feat = jnp.zeros((N, feat.shape[1]), dtype=feat.dtype).at[dst].add(feat[src])
        feat = feat * norm
    # fc layer
    out = feat @ W.T + b
    return out

if __name__ == "__main__":
    import jax
    _d = setup_inputs()
    print(jax.jit(kernel)(*tuple(_d.values())))

</pallas_src>

<mosaic_0001>
#map = affine_map<(d0, d1) -> (0, 0, 0)>
#map1 = affine_map<(d0, d1) -> (0, 0)>
module attributes {stable_mosaic.version = 14 : i64} {
  func.func @deg_kernel(%arg0: i32, %arg1: i32, %arg2: memref<32x79x128xi32, #tpu.memory_space<hbm>>, %arg3: memref<128x16xf32, #tpu.memory_space<hbm>>, %arg4: memref<628x16xf32, #tpu.memory_space<hbm>>, %arg5: memref<20480x16xf32, #tpu.memory_space<hbm>>, %arg6: memref<10048x16xf32, #tpu.memory_space<vmem_shared>>, %arg7: memref<128x16xf32, #tpu.memory_space<vmem>>, %arg8: memref<79x128xi32, #tpu.memory_space<vmem>>, %arg9: memref<628x16xf32, #tpu.memory_space<vmem>>, %arg10: memref<!tpu.dma_semaphore, #tpu.memory_space<semaphore_mem>>) attributes {dimension_semantics = [#tpu.dimension_semantics<core_parallel>, #tpu.dimension_semantics<subcore_parallel>], iteration_bounds = array<i64: 2, 16>, scalar_prefetch = 0 : i64, scratch_operands = 5 : i64, tpu.core_type = #tpu.core_type<sc_vector_subcore>, window_params = [{transform_indices = #map}, {transform_indices = #map1}, {transform_indices = #map1}, {transform_indices = #map1}]} {
    %mul3A = arith.constant 2 : i32
    %mul3A_0 = arith.muli %arg1, %mul3A : i32
    %add3A = arith.addi %mul3A_0, %arg0 : i32
    %mul3A_1 = arith.constant 628 : i32
    %mul3A_2 = arith.muli %arg1, %mul3A_1 : i32
    "tpu.region"() ({
      %run_scoped3A = tpu.sem_alloc : memref<!tpu.dma_semaphore, #tpu.memory_space<semaphore_mem>>
      tpu.enqueue_dma source(%arg3 : memref<128x16xf32, #tpu.memory_space<hbm>>) target(%arg7 : memref<128x16xf32, #tpu.memory_space<vmem>>) target_semaphore(%run_scoped3A : memref<!tpu.dma_semaphore, #tpu.memory_space<semaphore_mem>>)
      tpu.wait_dma2 semaphore(%run_scoped3A : memref<!tpu.dma_semaphore, #tpu.memory_space<semaphore_mem>>) src(%arg3 : memref<128x16xf32, #tpu.memory_space<hbm>>) dst(%arg7 : memref<128x16xf32, #tpu.memory_space<vmem>>)
      tpu.yield
    }) : () -> ()
    "tpu.region"() ({
      %run_scoped3A = tpu.sem_alloc : memref<!tpu.dma_semaphore, #tpu.memory_space<semaphore_mem>>
      tpu.enqueue_dma source(%arg4 : memref<628x16xf32, #tpu.memory_space<hbm>>) target(%arg9 : memref<628x16xf32, #tpu.memory_space<vmem>>) target_semaphore(%run_scoped3A : memref<!tpu.dma_semaphore, #tpu.memory_space<semaphore_mem>>)
      tpu.wait_dma2 semaphore(%run_scoped3A : memref<!tpu.dma_semaphore, #tpu.memory_space<semaphore_mem>>) src(%arg4 : memref<628x16xf32, #tpu.memory_space<hbm>>) dst(%arg9 : memref<628x16xf32, #tpu.memory_space<vmem>>)
      tpu.yield
    }) : () -> ()
    "tpu.region"() ({
      %run_scoped3A = tpu.sem_alloc : memref<!tpu.dma_semaphore, #tpu.memory_space<semaphore_mem>>
      %dma_start3A = arith.constant 0 : i32
      %dma_start3A_59 = tpu.memref_slice %arg6[%mul3A_2, %dma_start3A] : memref<10048x16xf32, #tpu.memory_space<vmem_shared>> -> memref<628x16xf32, #tpu.memory_space<vmem_shared>>
      %dma_start3A_60 = arith.constant 0 : i32
      %dma_start3A_61 = tpu.memref_slice %arg6[%mul3A_2, %dma_start3A_60] : memref<10048x16xf32, #tpu.memory_space<vmem_shared>> -> memref<628x16xf32, #tpu.memory_space<vmem_shared>>
      tpu.enqueue_dma source(%arg9 : memref<628x16xf32, #tpu.memory_space<vmem>>) target(%dma_start3A_61 : memref<628x16xf32, #tpu.memory_space<vmem_shared>>) target_semaphore(%run_scoped3A : memref<!tpu.dma_semaphore, #tpu.memory_space<semaphore_mem>>)
      %dma_wait3A_62 = arith.constant 0 : i32
      %dma_wait3A_63 = tpu.memref_slice %arg6[%mul3A_2, %dma_wait3A_62] : memref<10048x16xf32, #tpu.memory_space<vmem_shared>> -> memref<628x16xf32, #tpu.memory_space<vmem_shared>>
      %dma_wait3A_64 = arith.constant 0 : i32
      %dma_wait3A_65 = tpu.memref_slice %arg6[%mul3A_2, %dma_wait3A_64] : memref<10048x16xf32, #tpu.memory_space<vmem_shared>> -> memref<628x16xf32, #tpu.memory_space<vmem_shared>>
      tpu.wait_dma2 semaphore(%run_scoped3A : memref<!tpu.dma_semaphore, #tpu.memory_space<semaphore_mem>>) src(%arg9 : memref<628x16xf32, #tpu.memory_space<vmem>>) dst(%dma_wait3A_65 : memref<628x16xf32, #tpu.memory_space<vmem_shared>>)
      tpu.yield
    }) : () -> ()
    "tpu.region"() ({
      %run_scoped3A = tpu.sem_alloc : memref<!tpu.dma_semaphore, #tpu.memory_space<semaphore_mem>>
      %dma_start3A = arith.constant 0 : i32
      %dma_start3A_59 = arith.constant 0 : i32
      %dma_start3A_60 = tpu.memref_slice %arg2[%add3A, %dma_start3A, %dma_start3A_59] : memref<32x79x128xi32, #tpu.memory_space<hbm>> -> memref<1x79x128xi32, #tpu.memory_space<hbm>>
      %dma_start3A_61 = tpu.memref_squeeze %dma_start3A_60 : memref<1x79x128xi32, #tpu.memory_space<hbm>> -> memref<79x128xi32, #tpu.memory_space<hbm>>
      %dma_start3A_62 = arith.constant 0 : i32
      %dma_start3A_63 = arith.constant 0 : i32
      %dma_start3A_64 = tpu.memref_slice %arg2[%add3A, %dma_start3A_62, %dma_start3A_63] : memref<32x79x128xi32, #tpu.memory_space<hbm>> -> memref<1x79x128xi32, #tpu.memory_space<hbm>>
      %dma_start3A_65 = tpu.memref_squeeze %dma_start3A_64 : memref<1x79x128xi32, #tpu.memory_space<hbm>> -> memref<79x128xi32, #tpu.memory_space<hbm>>
      tpu.enqueue_dma source(%dma_start3A_65 : memref<79x128xi32, #tpu.memory_space<hbm>>) target(%arg8 : memref<79x128xi32, #tpu.memory_space<vmem>>) target_semaphore(%run_scoped3A : memref<!tpu.dma_semaphore, #tpu.memory_space<semaphore_mem>>)
      %dma_wait3A_66 = arith.constant 0 : i32
      %dma_wait3A_67 = arith.constant 0 : i32
      %dma_wait3A_68 = tpu.memref_slice %arg2[%add3A, %dma_wait3A_66, %dma_wait3A_67] : memref<32x79x128xi32, #tpu.memory_space<hbm>> -> memref<1x79x128xi32, #tpu.memory_space<hbm>>
      %dma_wait3A_69 = tpu.memref_squeeze %dma_wait3A_68 : memref<1x79x128xi32, #tpu.memory_space<hbm>> -> memref<79x128xi32, #tpu.memory_space<hbm>>
      %dma_wait3A_70 = arith.constant 0 : i32
      %dma_wait3A_71 = arith.constant 0 : i32
      %dma_wait3A_72 = tpu.memref_slice %arg2[%add3A, %dma_wait3A_70, %dma_wait3A_71] : memref<32x79x128xi32, #tpu.memory_space<hbm>> -> memref<1x79x128xi32, #tpu.memory_space<hbm>>
      %dma_wait3A_73 = tpu.memref_squeeze %dma_wait3A_72 : memref<1x79x128xi32, #tpu.memory_space<hbm>> -> memref<79x128xi32, #tpu.memory_space<hbm>>
      tpu.wait_dma2 semaphore(%run_scoped3A : memref<!tpu.dma_semaphore, #tpu.memory_space<semaphore_mem>>) src(%dma_wait3A_73 : memref<79x128xi32, #tpu.memory_space<hbm>>) dst(%arg8 : memref<79x128xi32, #tpu.memory_space<vmem>>)
      tpu.yield
    }) : () -> ()
    %barrier3A = arith.constant 0 : index
    tpu.barrier barrier_id(%barrier3A)
    %scan3A = arith.constant 0 : i32
    %scan3A_3 = arith.constant 0 : i32
    %scan3A_4 = arith.constant 79 : i32
    %scan3A_5 = arith.addi %scan3A_3, %scan3A_4 : i32
    %scan3A_6 = arith.constant 1 : i32
    scf.for %scan3A_59 = %scan3A_3 to %scan3A_5 step %scan3A_6  : i32 {
      %ge3A = arith.constant 8 : i32
      %ge3A_60 = arith.cmpi sge, %scan3A_59, %ge3A : i32
      %convert_element_type3A = arith.extui %ge3A_60 : i1 to i32
      %cond3A = arith.constant 0 : i32
      %cond3A_61 = arith.cmpi ne, %convert_element_type3A, %cond3A : i32
      scf.if %cond3A_61 {
        %dma_wait3A_67 = arith.constant 0 : i32
        %dma_wait3A_68 = arith.constant 0 : i32
        %dma_wait3A_69 = tpu.memref_slice %arg4[%dma_wait3A_67, %dma_wait3A_68] : memref<628x16xf32, #tpu.memory_space<hbm>> -> memref<128x16xf32, #tpu.memory_space<hbm>>
        %dma_wait3A_70 = arith.constant 0 : i32
        %dma_wait3A_71 = arith.constant 0 : i32
        %dma_wait3A_72 = tpu.memref_slice %arg4[%dma_wait3A_70, %dma_wait3A_71] : memref<628x16xf32, #tpu.memory_space<hbm>> -> memref<128x16xf32, #tpu.memory_space<hbm>>
        tpu.wait_dma2 semaphore(%arg10 : memref<!tpu.dma_semaphore, #tpu.memory_space<semaphore_mem>>) src(%dma_wait3A_72 : memref<128x16xf32, #tpu.memory_space<hbm>>) dst(%arg7 : memref<128x16xf32, #tpu.memory_space<vmem>>)
      } else {
      }
      %dma_start3A = arith.constant 0 : i32
      %dma_start3A_62 = tpu.memref_slice %arg8[%scan3A_59, %dma_start3A] : memref<79x128xi32, #tpu.memory_space<vmem>> -> memref<1x128xi32, #tpu.memory_space<vmem>>
      %dma_start3A_63 = tpu.memref_squeeze %dma_start3A_62 : memref<1x128xi32, #tpu.memory_space<vmem>> -> memref<128xi32, #tpu.memory_space<vmem>>
      %dma_start3A_64 = arith.constant 0 : i32
      %dma_start3A_65 = arith.constant 0 : i32
      %dma_start3A_66 = tpu.memref_slice %arg6[%dma_start3A_64, %dma_start3A_65] : memref<10048x16xf32, #tpu.memory_space<vmem_shared>> -> memref<10048x16xf32, #tpu.memory_space<vmem_shared>>
      tpu.enqueue_indirect_dma source(%arg7 : memref<128x16xf32, #tpu.memory_space<vmem>>) target(%dma_start3A_66 : memref<10048x16xf32, #tpu.memory_space<vmem_shared>>) offsets(%dma_start3A_63 : memref<128xi32, #tpu.memory_space<vmem>>) semaphore(%arg10 : memref<!tpu.dma_semaphore, #tpu.memory_space<semaphore_mem>>) {add = true}
    }
    %scan3A_7 = arith.constant 79 : i32
    %dma_wait3A = arith.constant 0 : i32
    %dma_wait3A_8 = arith.constant 0 : i32
    %dma_wait3A_9 = tpu.memref_slice %arg4[%dma_wait3A, %dma_wait3A_8] : memref<628x16xf32, #tpu.memory_space<hbm>> -> memref<128x16xf32, #tpu.memory_space<hbm>>
    %dma_wait3A_10 = arith.constant 0 : i32
    %dma_wait3A_11 = arith.constant 0 : i32
    %dma_wait3A_12 = tpu.memref_slice %arg4[%dma_wait3A_10, %dma_wait3A_11] : memref<628x16xf32, #tpu.memory_space<hbm>> -> memref<128x16xf32, #tpu.memory_space<hbm>>
    tpu.wait_dma2 semaphore(%arg10 : memref<!tpu.dma_semaphore, #tpu.memory_space<semaphore_mem>>) src(%dma_wait3A_12 : memref<128x16xf32, #tpu.memory_space<hbm>>) dst(%arg7 : memref<128x16xf32, #tpu.memory_space<vmem>>)
    %dma_wait3A_13 = arith.constant 0 : i32
    %dma_wait3A_14 = arith.constant 0 : i32
    %dma_wait3A_15 = tpu.memref_slice %arg4[%dma_wait3A_13, %dma_wait3A_14] : memref<628x16xf32, #tpu.memory_space<hbm>> -> memref<128x16xf32, #tpu.memory_space<hbm>>
    %dma_wait3A_16 = arith.constant 0 : i32
    %dma_wait3A_17 = arith.constant 0 : i32
    %dma_wait3A_18 = tpu.memref_slice %arg4[%dma_wait3A_16, %dma_wait3A_17] : memref<628x16xf32, #tpu.memory_space<hbm>> -> memref<128x16xf32, #tpu.memory_space<hbm>>
    tpu.wait_dma2 semaphore(%arg10 : memref<!tpu.dma_semaphore, #tpu.memory_space<semaphore_mem>>) src(%dma_wait3A_18 : memref<128x16xf32, #tpu.memory_space<hbm>>) dst(%arg7 : memref<128x16xf32, #tpu.memory_space<vmem>>)
    %dma_wait3A_19 = arith.constant 0 : i32
    %dma_wait3A_20 = arith.constant 0 : i32
    %dma_wait3A_21 = tpu.memref_slice %arg4[%dma_wait3A_19, %dma_wait3A_20] : memref<628x16xf32, #tpu.memory_space<hbm>> -> memref<128x16xf32, #tpu.memory_space<hbm>>
    %dma_wait3A_22 = arith.constant 0 : i32
    %dma_wait3A_23 = arith.constant 0 : i32
    %dma_wait3A_24 = tpu.memref_slice %arg4[%dma_wait3A_22, %dma_wait3A_23] : memref<628x16xf32, #tpu.memory_space<hbm>> -> memref<128x16xf32, #tpu.memory_space<hbm>>
    tpu.wait_dma2 semaphore(%arg10 : memref<!tpu.dma_semaphore, #tpu.memory_space<semaphore_mem>>) src(%dma_wait3A_24 : memref<128x16xf32, #tpu.memory_space<hbm>>) dst(%arg7 : memref<128x16xf32, #tpu.memory_space<vmem>>)
    %dma_wait3A_25 = arith.constant 0 : i32
    %dma_wait3A_26 = arith.constant 0 : i32
    %dma_wait3A_27 = tpu.memref_slice %arg4[%dma_wait3A_25, %dma_wait3A_26] : memref<628x16xf32, #tpu.memory_space<hbm>> -> memref<128x16xf32, #tpu.memory_space<hbm>>
    %dma_wait3A_28 = arith.constant 0 : i32
    %dma_wait3A_29 = arith.constant 0 : i32
    %dma_wait3A_30 = tpu.memref_slice %arg4[%dma_wait3A_28, %dma_wait3A_29] : memref<628x16xf32, #tpu.memory_space<hbm>> -> memref<128x16xf32, #tpu.memory_space<hbm>>
    tpu.wait_dma2 semaphore(%arg10 : memref<!tpu.dma_semaphore, #tpu.memory_space<semaphore_mem>>) src(%dma_wait3A_30 : memref<128x16xf32, #tpu.memory_space<hbm>>) dst(%arg7 : memref<128x16xf32, #tpu.memory_space<vmem>>)
    %dma_wait3A_31 = arith.constant 0 : i32
    %dma_wait3A_32 = arith.constant 0 : i32
    %dma_wait3A_33 = tpu.memref_slice %arg4[%dma_wait3A_31, %dma_wait3A_32] : memref<628x16xf32, #tpu.memory_space<hbm>> -> memref<128x16xf32, #tpu.memory_space<hbm>>
    %dma_wait3A_34 = arith.constant 0 : i32
    %dma_wait3A_35 = arith.constant 0 : i32
    %dma_wait3A_36 = tpu.memref_slice %arg4[%dma_wait3A_34, %dma_wait3A_35] : memref<628x16xf32, #tpu.memory_space<hbm>> -> memref<128x16xf32, #tpu.memory_space<hbm>>
    tpu.wait_dma2 semaphore(%arg10 : memref<!tpu.dma_semaphore, #tpu.memory_space<semaphore_mem>>) src(%dma_wait3A_36 : memref<128x16xf32, #tpu.memory_space<hbm>>) dst(%arg7 : memref<128x16xf32, #tpu.memory_space<vmem>>)
    %dma_wait3A_37 = arith.constant 0 : i32
    %dma_wait3A_38 = arith.constant 0 : i32
    %dma_wait3A_39 = tpu.memref_slice %arg4[%dma_wait3A_37, %dma_wait3A_38] : memref<628x16xf32, #tpu.memory_space<hbm>> -> memref<128x16xf32, #tpu.memory_space<hbm>>
    %dma_wait3A_40 = arith.constant 0 : i32
    %dma_wait3A_41 = arith.constant 0 : i32
    %dma_wait3A_42 = tpu.memref_slice %arg4[%dma_wait3A_40, %dma_wait3A_41] : memref<628x16xf32, #tpu.memory_space<hbm>> -> memref<128x16xf32, #tpu.memory_space<hbm>>
    tpu.wait_dma2 semaphore(%arg10 : memref<!tpu.dma_semaphore, #tpu.memory_space<semaphore_mem>>) src(%dma_wait3A_42 : memref<128x16xf32, #tpu.memory_space<hbm>>) dst(%arg7 : memref<128x16xf32, #tpu.memory_space<vmem>>)
    %dma_wait3A_43 = arith.constant 0 : i32
    %dma_wait3A_44 = arith.constant 0 : i32
    %dma_wait3A_45 = tpu.memref_slice %arg4[%dma_wait3A_43, %dma_wait3A_44] : memref<628x16xf32, #tpu.memory_space<hbm>> -> memref<128x16xf32, #tpu.memory_space<hbm>>
    %dma_wait3A_46 = arith.constant 0 : i32
    %dma_wait3A_47 = arith.constant 0 : i32
    %dma_wait3A_48 = tpu.memref_slice %arg4[%dma_wait3A_46, %dma_wait3A_47] : memref<628x16xf32, #tpu.memory_space<hbm>> -> memref<128x16xf32, #tpu.memory_space<hbm>>
    tpu.wait_dma2 semaphore(%arg10 : memref<!tpu.dma_semaphore, #tpu.memory_space<semaphore_mem>>) src(%dma_wait3A_48 : memref<128x16xf32, #tpu.memory_space<hbm>>) dst(%arg7 : memref<128x16xf32, #tpu.memory_space<vmem>>)
    %dma_wait3A_49 = arith.constant 0 : i32
    %dma_wait3A_50 = arith.constant 0 : i32
    %dma_wait3A_51 = tpu.memref_slice %arg4[%dma_wait3A_49, %dma_wait3A_50] : memref<628x16xf32, #tpu.memory_space<hbm>> -> memref<128x16xf32, #tpu.memory_space<hbm>>
    %dma_wait3A_52 = arith.constant 0 : i32
    %dma_wait3A_53 = arith.constant 0 : i32
    %dma_wait3A_54 = tpu.memref_slice %arg4[%dma_wait3A_52, %dma_wait3A_53] : memref<628x16xf32, #tpu.memory_space<hbm>> -> memref<128x16xf32, #tpu.memory_space<hbm>>
    tpu.wait_dma2 semaphore(%arg10 : memref<!tpu.dma_semaphore, #tpu.memory_space<semaphore_mem>>) src(%dma_wait3A_54 : memref<128x16xf32, #tpu.memory_space<hbm>>) dst(%arg7 : memref<128x16xf32, #tpu.memory_space<vmem>>)
    %barrier3A_55 = arith.constant 0 : index
    tpu.barrier barrier_id(%barrier3A_55)
    %mul3A_56 = arith.constant 10240 : i32
    %mul3A_57 = arith.muli %arg0, %mul3A_56 : i32
    %add3A_58 = arith.addi %mul3A_57, %mul3A_2 : i32
    "tpu.region"() ({
      %run_scoped3A = tpu.sem_alloc : memref<!tpu.dma_semaphore, #tpu.memory_space<semaphore_mem>>
      %dma_start3A = arith.constant 0 : i32
      %dma_start3A_59 = tpu.memref_slice %arg5[%add3A_58, %dma_start3A] : memref<20480x16xf32, #tpu.memory_space<hbm>> -> memref<628x16xf32, #tpu.memory_space<hbm>>
      %dma_start3A_60 = arith.constant 0 : i32
      %dma_start3A_61 = tpu.memref_slice %arg6[%mul3A_2, %dma_start3A_60] : memref<10048x16xf32, #tpu.memory_space<vmem_shared>> -> memref<628x16xf32, #tpu.memory_space<vmem_shared>>
      tpu.enqueue_dma source(%dma_start3A_61 : memref<628x16xf32, #tpu.memory_space<vmem_shared>>) target(%dma_start3A_59 : memref<628x16xf32, #tpu.memory_space<hbm>>) target_semaphore(%run_scoped3A : memref<!tpu.dma_semaphore, #tpu.memory_space<semaphore_mem>>)
      %dma_wait3A_62 = arith.constant 0 : i32
      %dma_wait3A_63 = tpu.memref_slice %arg5[%add3A_58, %dma_wait3A_62] : memref<20480x16xf32, #tpu.memory_space<hbm>> -> memref<628x16xf32, #tpu.memory_space<hbm>>
      %dma_wait3A_64 = arith.constant 0 : i32
      %dma_wait3A_65 = tpu.memref_slice %arg6[%mul3A_2, %dma_wait3A_64] : memref<10048x16xf32, #tpu.memory_space<vmem_shared>> -> memref<628x16xf32, #tpu.memory_space<vmem_shared>>
      tpu.wait_dma2 semaphore(%run_scoped3A : memref<!tpu.dma_semaphore, #tpu.memory_space<semaphore_mem>>) src(%dma_wait3A_65 : memref<628x16xf32, #tpu.memory_space<vmem_shared>>) dst(%dma_wait3A_63 : memref<628x16xf32, #tpu.memory_space<hbm>>)
      tpu.yield
    }) : () -> ()
    return
  }
}

#map = affine_map<(d0, d1) -> (0, 0)>
#map1 = affine_map<(d0, d1) -> (0, 0, 0)>
module attributes {stable_mosaic.version = 14 : i64} {
  func.func @hop_kernel(%arg0: i32, %arg1: i32, %arg2: memref<10240x40xf32, #tpu.memory_space<hbm>>, %arg3: memref<32x79x128xi32, #tpu.memory_space<hbm>>, %arg4: memref<32x79x128xi32, #tpu.memory_space<hbm>>, %arg5: memref<628x40xf32, #tpu.memory_space<hbm>>, %arg6: memref<20480x40xf32, #tpu.memory_space<hbm>>, %arg7: memref<10048x40xf32, #tpu.memory_space<vmem_shared>>, %arg8: memref<10048x40xf32, #tpu.memory_space<vmem_shared>>, %arg9: memref<79x128xi32, #tpu.memory_space<vmem>>, %arg10: memref<79x128xi32, #tpu.memory_space<vmem>>, %arg11: memref<8x128x40xf32, #tpu.memory_space<vmem>>, %arg12: memref<!tpu.dma_semaphore, #tpu.memory_space<semaphore_mem>>, %arg13: memref<!tpu.dma_semaphore, #tpu.memory_space<semaphore_mem>>) attributes {dimension_semantics = [#tpu.dimension_semantics<core_parallel>, #tpu.dimension_semantics<subcore_parallel>], iteration_bounds = array<i64: 2, 16>, scalar_prefetch = 0 : i64, scratch_operands = 7 : i64, tpu.core_type = #tpu.core_type<sc_vector_subcore>, window_params = [{transform_indices = #map}, {transform_indices = #map1}, {transform_indices = #map1}, {transform_indices = #map}, {transform_indices = #map}]} {
    %mul3A = arith.constant 2 : i32
    %mul3A_0 = arith.muli %arg1, %mul3A : i32
    %add3A = arith.addi %mul3A_0, %arg0 : i32
    %mul3A_1 = arith.constant 628 : i32
    %mul3A_2 = arith.muli %arg1, %mul3A_1 : i32
    "tpu.region"() ({
      %run_scoped3A = tpu.sem_alloc : memref<!tpu.dma_semaphore, #tpu.memory_space<semaphore_mem>>
      %dma_start3A_100 = arith.constant 0 : i32
      %dma_start3A_101 = tpu.memref_slice %arg7[%mul3A_2, %dma_start3A_100] : memref<10048x40xf32, #tpu.memory_space<vmem_shared>> -> memref<628x40xf32, #tpu.memory_space<vmem_shared>>
      %dma_start3A_102 = arith.constant 0 : i32
      %dma_start3A_103 = tpu.memref_slice %arg2[%mul3A_2, %dma_start3A_102] : memref<10240x40xf32, #tpu.memory_space<hbm>> -> memref<628x40xf32, #tpu.memory_space<hbm>>
      tpu.enqueue_dma source(%dma_start3A_103 : memref<628x40xf32, #tpu.memory_space<hbm>>) target(%dma_start3A_101 : memref<628x40xf32, #tpu.memory_space<vmem_shared>>) target_semaphore(%run_scoped3A : memref<!tpu.dma_semaphore, #tpu.memory_space<semaphore_mem>>)
      %dma_wait3A_104 = arith.constant 0 : i32
      %dma_wait3A_105 = tpu.memref_slice %arg7[%mul3A_2, %dma_wait3A_104] : memref<10048x40xf32, #tpu.memory_space<vmem_shared>> -> memref<628x40xf32, #tpu.memory_space<vmem_shared>>
      %dma_wait3A_106 = arith.constant 0 : i32
      %dma_wait3A_107 = tpu.memref_slice %arg2[%mul3A_2, %dma_wait3A_106] : memref<10240x40xf32, #tpu.memory_space<hbm>> -> memref<628x40xf32, #tpu.memory_space<hbm>>
      tpu.wait_dma2 semaphore(%run_scoped3A : memref<!tpu.dma_semaphore, #tpu.memory_space<semaphore_mem>>) src(%dma_wait3A_107 : memref<628x40xf32, #tpu.memory_space<hbm>>) dst(%dma_wait3A_105 : memref<628x40xf32, #tpu.memory_space<vmem_shared>>)
      tpu.yield
    }) : () -> ()
    "tpu.region"() ({
      %run_scoped3A = tpu.sem_alloc : memref<!tpu.dma_semaphore, #tpu.memory_space<semaphore_mem>>
      %dma_start3A_100 = arith.constant 0 : i32
      %dma_start3A_101 = tpu.memref_slice %arg8[%mul3A_2, %dma_start3A_100] : memref<10048x40xf32, #tpu.memory_space<vmem_shared>> -> memref<628x40xf32, #tpu.memory_space<vmem_shared>>
      tpu.enqueue_dma source(%arg5 : memref<628x40xf32, #tpu.memory_space<hbm>>) target(%dma_start3A_101 : memref<628x40xf32, #tpu.memory_space<vmem_shared>>) target_semaphore(%run_scoped3A : memref<!tpu.dma_semaphore, #tpu.memory_space<semaphore_mem>>)
      %dma_wait3A_102 = arith.constant 0 : i32
      %dma_wait3A_103 = tpu.memref_slice %arg8[%mul3A_2, %dma_wait3A_102] : memref<10048x40xf32, #tpu.memory_space<vmem_shared>> -> memref<628x40xf32, #tpu.memory_space<vmem_shared>>
      tpu.wait_dma2 semaphore(%run_scoped3A : memref<!tpu.dma_semaphore, #tpu.memory_space<semaphore_mem>>) src(%arg5 : memref<628x40xf32, #tpu.memory_space<hbm>>) dst(%dma_wait3A_103 : memref<628x40xf32, #tpu.memory_space<vmem_shared>>)
      tpu.yield
    }) : () -> ()
    "tpu.region"() ({
      %run_scoped3A = tpu.sem_alloc : memref<!tpu.dma_semaphore, #tpu.memory_space<semaphore_mem>>
      %dma_start3A_100 = arith.constant 0 : i32
      %dma_start3A_101 = arith.constant 0 : i32
      %dma_start3A_102 = tpu.memref_slice %arg3[%add3A, %dma_start3A_100, %dma_start3A_101] : memref<32x79x128xi32, #tpu.memory_space<hbm>> -> memref<1x79x128xi32, #tpu.memory_space<hbm>>
      %dma_start3A_103 = tpu.memref_squeeze %dma_start3A_102 : memref<1x79x128xi32, #tpu.memory_space<hbm>> -> memref<79x128xi32, #tpu.memory_space<hbm>>
      %dma_start3A_104 = arith.constant 0 : i32
      %dma_start3A_105 = arith.constant 0 : i32
      %dma_start3A_106 = tpu.memref_slice %arg3[%add3A, %dma_start3A_104, %dma_start3A_105] : memref<32x79x128xi32, #tpu.memory_space<hbm>> -> memref<1x79x128xi32, #tpu.memory_space<hbm>>
      %dma_start3A_107 = tpu.memref_squeeze %dma_start3A_106 : memref<1x79x128xi32, #tpu.memory_space<hbm>> -> memref<79x128xi32, #tpu.memory_space<hbm>>
      tpu.enqueue_dma source(%dma_start3A_107 : memref<79x128xi32, #tpu.memory_space<hbm>>) target(%arg9 : memref<79x128xi32, #tpu.memory_space<vmem>>) target_semaphore(%run_scoped3A : memref<!tpu.dma_semaphore, #tpu.memory_space<semaphore_mem>>)
      %dma_wait3A_108 = arith.constant 0 : i32
      %dma_wait3A_109 = arith.constant 0 : i32
      %dma_wait3A_110 = tpu.memref_slice %arg3[%add3A, %dma_wait3A_108, %dma_wait3A_109] : memref<32x79x128xi32, #tpu.memory_space<hbm>> -> memref<1x79x128xi32, #tpu.memory_space<hbm>>
      %dma_wait3A_111 = tpu.memref_squeeze %dma_wait3A_110 : memref<1x79x128xi32, #tpu.memory_space<hbm>> -> memref<79x128xi32, #tpu.memory_space<hbm>>
      %dma_wait3A_112 = arith.constant 0 : i32
      %dma_wait3A_113 = arith.constant 0 : i32
      %dma_wait3A_114 = tpu.memref_slice %arg3[%add3A, %dma_wait3A_112, %dma_wait3A_113] : memref<32x79x128xi32, #tpu.memory_space<hbm>> -> memref<1x79x128xi32, #tpu.memory_space<hbm>>
      %dma_wait3A_115 = tpu.memref_squeeze %dma_wait3A_114 : memref<1x79x128xi32, #tpu.memory_space<hbm>> -> memref<79x128xi32, #tpu.memory_space<hbm>>
      tpu.wait_dma2 semaphore(%run_scoped3A : memref<!tpu.dma_semaphore, #tpu.memory_space<semaphore_mem>>) src(%dma_wait3A_115 : memref<79x128xi32, #tpu.memory_space<hbm>>) dst(%arg9 : memref<79x128xi32, #tpu.memory_space<vmem>>)
      tpu.yield
    }) : () -> ()
    "tpu.region"() ({
      %run_scoped3A = tpu.sem_alloc : memref<!tpu.dma_semaphore, #tpu.memory_space<semaphore_mem>>
      %dma_start3A_100 = arith.constant 0 : i32
      %dma_start3A_101 = arith.constant 0 : i32
      %dma_start3A_102 = tpu.memref_slice %arg4[%add3A, %dma_start3A_100, %dma_start3A_101] : memref<32x79x128xi32, #tpu.memory_space<hbm>> -> memref<1x79x128xi32, #tpu.memory_space<hbm>>
      %dma_start3A_103 = tpu.memref_squeeze %dma_start3A_102 : memref<1x79x128xi32, #tpu.memory_space<hbm>> -> memref<79x128xi32, #tpu.memory_space<hbm>>
      %dma_start3A_104 = arith.constant 0 : i32
      %dma_start3A_105 = arith.constant 0 : i32
      %dma_start3A_106 = tpu.memref_slice %arg4[%add3A, %dma_start3A_104, %dma_start3A_105] : memref<32x79x128xi32, #tpu.memory_space<hbm>> -> memref<1x79x128xi32, #tpu.memory_space<hbm>>
      %dma_start3A_107 = tpu.memref_squeeze %dma_start3A_106 : memref<1x79x128xi32, #tpu.memory_space<hbm>> -> memref<79x128xi32, #tpu.memory_space<hbm>>
      tpu.enqueue_dma source(%dma_start3A_107 : memref<79x128xi32, #tpu.memory_space<hbm>>) target(%arg10 : memref<79x128xi32, #tpu.memory_space<vmem>>) target_semaphore(%run_scoped3A : memref<!tpu.dma_semaphore, #tpu.memory_space<semaphore_mem>>)
      %dma_wait3A_108 = arith.constant 0 : i32
      %dma_wait3A_109 = arith.constant 0 : i32
      %dma_wait3A_110 = tpu.memref_slice %arg4[%add3A, %dma_wait3A_108, %dma_wait3A_109] : memref<32x79x128xi32, #tpu.memory_space<hbm>> -> memref<1x79x128xi32, #tpu.memory_space<hbm>>
      %dma_wait3A_111 = tpu.memref_squeeze %dma_wait3A_110 : memref<1x79x128xi32, #tpu.memory_space<hbm>> -> memref<79x128xi32, #tpu.memory_space<hbm>>
      %dma_wait3A_112 = arith.constant 0 : i32
      %dma_wait3A_113 = arith.constant 0 : i32
      %dma_wait3A_114 = tpu.memref_slice %arg4[%add3A, %dma_wait3A_112, %dma_wait3A_113] : memref<32x79x128xi32, #tpu.memory_space<hbm>> -> memref<1x79x128xi32, #tpu.memory_space<hbm>>
      %dma_wait3A_115 = tpu.memref_squeeze %dma_wait3A_114 : memref<1x79x128xi32, #tpu.memory_space<hbm>> -> memref<79x128xi32, #tpu.memory_space<hbm>>
      tpu.wait_dma2 semaphore(%run_scoped3A : memref<!tpu.dma_semaphore, #tpu.memory_space<semaphore_mem>>) src(%dma_wait3A_115 : memref<79x128xi32, #tpu.memory_space<hbm>>) dst(%arg10 : memref<79x128xi32, #tpu.memory_space<vmem>>)
      tpu.yield
    }) : () -> ()
    %barrier3A = arith.constant 0 : index
    tpu.barrier barrier_id(%barrier3A)
    %dma_start3A = arith.constant 0 : i32
    %dma_start3A_3 = arith.constant 0 : i32
    %dma_start3A_4 = arith.constant 0 : i32
    %dma_start3A_5 = arith.constant 0 : i32
    %dma_start3A_6 = tpu.memref_slice %arg11[%dma_start3A_3, %dma_start3A_4, %dma_start3A_5] : memref<8x128x40xf32, #tpu.memory_space<vmem>> -> memref<1x128x40xf32, #tpu.memory_space<vmem>>
    %dma_start3A_7 = tpu.memref_squeeze %dma_start3A_6 : memref<1x128x40xf32, #tpu.memory_space<vmem>> -> memref<128x40xf32, #tpu.memory_space<vmem>>
    %dma_start3A_8 = arith.constant 0 : i32
    %dma_start3A_9 = tpu.memref_slice %arg9[%dma_start3A, %dma_start3A_8] : memref<79x128xi32, #tpu.memory_space<vmem>> -> memref<1x128xi32, #tpu.memory_space<vmem>>
    %dma_start3A_10 = tpu.memref_squeeze %dma_start3A_9 : memref<1x128xi32, #tpu.memory_space<vmem>> -> memref<128xi32, #tpu.memory_space<vmem>>
    %dma_start3A_11 = arith.constant 0 : i32
    %dma_start3A_12 = arith.constant 0 : i32
    %dma_start3A_13 = tpu.memref_slice %arg7[%dma_start3A_11, %dma_start3A_12] : memref<10048x40xf32, #tpu.memory_space<vmem_shared>> -> memref<10048x40xf32, #tpu.memory_space<vmem_shared>>
    tpu.enqueue_indirect_dma source(%dma_start3A_13 : memref<10048x40xf32, #tpu.memory_space<vmem_shared>>) target(%dma_start3A_7 : memref<128x40xf32, #tpu.memory_space<vmem>>) offsets(%dma_start3A_10 : memref<128xi32, #tpu.memory_space<vmem>>) semaphore(%arg12 : memref<!tpu.dma_semaphore, #tpu.memory_space<semaphore_mem>>)
    %dma_start3A_14 = arith.constant 1 : i32
    %dma_start3A_15 = arith.constant 1 : i32
    %dma_start3A_16 = arith.constant 0 : i32
    %dma_start3A_17 = arith.constant 0 : i32
    %dma_start3A_18 = tpu.memref_slice %arg11[%dma_start3A_15, %dma_start3A_16, %dma_start3A_17] : memref<8x128x40xf32, #tpu.memory_space<vmem>> -> memref<1x128x40xf32, #tpu.memory_space<vmem>>
    %dma_start3A_19 = tpu.memref_squeeze %dma_start3A_18 : memref<1x128x40xf32, #tpu.memory_space<vmem>> -> memref<128x40xf32, #tpu.memory_space<vmem>>
    %dma_start3A_20 = arith.constant 0 : i32
    %dma_start3A_21 = tpu.memref_slice %arg9[%dma_start3A_14, %dma_start3A_20] : memref<79x128xi32, #tpu.memory_space<vmem>> -> memref<1x128xi32, #tpu.memory_space<vmem>>
    %dma_start3A_22 = tpu.memref_squeeze %dma_start3A_21 : memref<1x128xi32, #tpu.memory_space<vmem>> -> memref<128xi32, #tpu.memory_space<vmem>>
    %dma_start3A_23 = arith.constant 0 : i32
    %dma_start3A_24 = arith.constant 0 : i32
    %dma_start3A_25 = tpu.memref_slice %arg7[%dma_start3A_23, %dma_start3A_24] : memref<10048x40xf32, #tpu.memory_space<vmem_shared>> -> memref<10048x40xf32, #tpu.memory_space<vmem_shared>>
    tpu.enqueue_indirect_dma source(%dma_start3A_25 : memref<10048x40xf32, #tpu.memory_space<vmem_shared>>) target(%dma_start3A_19 : memref<128x40xf32, #tpu.memory_space<vmem>>) offsets(%dma_start3A_22 : memref<128xi32, #tpu.memory_space<vmem>>) semaphore(%arg12 : memref<!tpu.dma_semaphore, #tpu.memory_space<semaphore_mem>>)
    %dma_start3A_26 = arith.constant 2 : i32
    %dma_start3A_27 = arith.constant 2 : i32
    %dma_start3A_28 = arith.constant 0 : i32
    %dma_start3A_29 = arith.constant 0 : i32
    %dma_start3A_30 = tpu.memref_slice %arg11[%dma_start3A_27, %dma_start3A_28, %dma_start3A_29] : memref<8x128x40xf32, #tpu.memory_space<vmem>> -> memref<1x128x40xf32, #tpu.memory_space<vmem>>
    %dma_start3A_31 = tpu.memref_squeeze %dma_start3A_30 : memref<1x128x40xf32, #tpu.memory_space<vmem>> -> memref<128x40xf32, #tpu.memory_space<vmem>>
    %dma_start3A_32 = arith.constant 0 : i32
    %dma_start3A_33 = tpu.memref_slice %arg9[%dma_start3A_26, %dma_start3A_32] : memref<79x128xi32, #tpu.memory_space<vmem>> -> memref<1x128xi32, #tpu.memory_space<vmem>>
    %dma_start3A_34 = tpu.memref_squeeze %dma_start3A_33 : memref<1x128xi32, #tpu.memory_space<vmem>> -> memref<128xi32, #tpu.memory_space<vmem>>
    %dma_start3A_35 = arith.constant 0 : i32
    %dma_start3A_36 = arith.constant 0 : i32
    %dma_start3A_37 = tpu.memref_slice %arg7[%dma_start3A_35, %dma_start3A_36] : memref<10048x40xf32, #tpu.memory_space<vmem_shared>> -> memref<10048x40xf32, #tpu.memory_space<vmem_shared>>
    tpu.enqueue_indirect_dma source(%dma_start3A_37 : memref<10048x40xf32, #tpu.memory_space<vmem_shared>>) target(%dma_start3A_31 : memref<128x40xf32, #tpu.memory_space<vmem>>) offsets(%dma_start3A_34 : memref<128xi32, #tpu.memory_space<vmem>>) semaphore(%arg12 : memref<!tpu.dma_semaphore, #tpu.memory_space<semaphore_mem>>)
    %dma_start3A_38 = arith.constant 3 : i32
    %dma_start3A_39 = arith.constant 3 : i32
    %dma_start3A_40 = arith.constant 0 : i32
    %dma_start3A_41 = arith.constant 0 : i32
    %dma_start3A_42 = tpu.memref_slice %arg11[%dma_start3A_39, %dma_start3A_40, %dma_start3A_41] : memref<8x128x40xf32, #tpu.memory_space<vmem>> -> memref<1x128x40xf32, #tpu.memory_space<vmem>>
    %dma_start3A_43 = tpu.memref_squeeze %dma_start3A_42 : memref<1x128x40xf32, #tpu.memory_space<vmem>> -> memref<128x40xf32, #tpu.memory_space<vmem>>
    %dma_start3A_44 = arith.constant 0 : i32
    %dma_start3A_45 = tpu.memref_slice %arg9[%dma_start3A_38, %dma_start3A_44] : memref<79x128xi32, #tpu.memory_space<vmem>> -> memref<1x128xi32, #tpu.memory_space<vmem>>
    %dma_start3A_46 = tpu.memref_squeeze %dma_start3A_45 : memref<1x128xi32, #tpu.memory_space<vmem>> -> memref<128xi32, #tpu.memory_space<vmem>>
    %dma_start3A_47 = arith.constant 0 : i32
    %dma_start3A_48 = arith.constant 0 : i32
    %dma_start3A_49 = tpu.memref_slice %arg7[%dma_start3A_47, %dma_start3A_48] : memref<10048x40xf32, #tpu.memory_space<vmem_shared>> -> memref<10048x40xf32, #tpu.memory_space<vmem_shared>>
    tpu.enqueue_indirect_dma source(%dma_start3A_49 : memref<10048x40xf32, #tpu.memory_space<vmem_shared>>) target(%dma_start3A_43 : memref<128x40xf32, #tpu.memory_space<vmem>>) offsets(%dma_start3A_46 : memref<128xi32, #tpu.memory_space<vmem>>) semaphore(%arg12 : memref<!tpu.dma_semaphore, #tpu.memory_space<semaphore_mem>>)
    %dma_start3A_50 = arith.constant 4 : i32
    %dma_start3A_51 = arith.constant 4 : i32
    %dma_start3A_52 = arith.constant 0 : i32
    %dma_start3A_53 = arith.constant 0 : i32
    %dma_start3A_54 = tpu.memref_slice %arg11[%dma_start3A_51, %dma_start3A_52, %dma_start3A_53] : memref<8x128x40xf32, #tpu.memory_space<vmem>> -> memref<1x128x40xf32, #tpu.memory_space<vmem>>
    %dma_start3A_55 = tpu.memref_squeeze %dma_start3A_54 : memref<1x128x40xf32, #tpu.memory_space<vmem>> -> memref<128x40xf32, #tpu.memory_space<vmem>>
    %dma_start3A_56 = arith.constant 0 : i32
    %dma_start3A_57 = tpu.memref_slice %arg9[%dma_start3A_50, %dma_start3A_56] : memref<79x128xi32, #tpu.memory_space<vmem>> -> memref<1x128xi32, #tpu.memory_space<vmem>>
    %dma_start3A_58 = tpu.memref_squeeze %dma_start3A_57 : memref<1x128xi32, #tpu.memory_space<vmem>> -> memref<128xi32, #tpu.memory_space<vmem>>
    %dma_start3A_59 = arith.constant 0 : i32
    %dma_start3A_60 = arith.constant 0 : i32
    %dma_start3A_61 = tpu.memref_slice %arg7[%dma_start3A_59, %dma_start3A_60] : memref<10048x40xf32, #tpu.memory_space<vmem_shared>> -> memref<10048x40xf32, #tpu.memory_space<vmem_shared>>
    tpu.enqueue_indirect_dma source(%dma_start3A_61 : memref<10048x40xf32, #tpu.memory_space<vmem_shared>>) target(%dma_start3A_55 : memref<128x40xf32, #tpu.memory_space<vmem>>) offsets(%dma_start3A_58 : memref<128xi32, #tpu.memory_space<vmem>>) semaphore(%arg12 : memref<!tpu.dma_semaphore, #tpu.memory_space<semaphore_mem>>)
    %scan3A = arith.constant 0 : i32
    %scan3A_62 = arith.constant 0 : i32
    %scan3A_63 = arith.constant 79 : i32
    %scan3A_64 = arith.addi %scan3A_62, %scan3A_63 : i32
    %scan3A_65 = arith.constant 1 : i32
    scf.for %scan3A_100 = %scan3A_62 to %scan3A_64 step %scan3A_65  : i32 {
      %dma_wait3A_101 = arith.constant 0 : i32
      %dma_wait3A_102 = arith.constant 0 : i32
      %dma_wait3A_103 = arith.constant 0 : i32
      %dma_wait3A_104 = tpu.memref_slice %arg11[%dma_wait3A_101, %dma_wait3A_102, %dma_wait3A_103] : memref<8x128x40xf32, #tpu.memory_space<vmem>> -> memref<1x128x40xf32, #tpu.memory_space<vmem>>
      %dma_wait3A_105 = tpu.memref_squeeze %dma_wait3A_104 : memref<1x128x40xf32, #tpu.memory_space<vmem>> -> memref<128x40xf32, #tpu.memory_space<vmem>>
      %dma_wait3A_106 = arith.constant 0 : i32
      %dma_wait3A_107 = arith.constant 0 : i32
      %dma_wait3A_108 = tpu.memref_slice %arg2[%dma_wait3A_106, %dma_wait3A_107] : memref<10240x40xf32, #tpu.memory_space<hbm>> -> memref<128x40xf32, #tpu.memory_space<hbm>>
      %dma_wait3A_109 = arith.constant 0 : i32
      %dma_wait3A_110 = arith.constant 0 : i32
      %dma_wait3A_111 = tpu.memref_slice %arg11[%dma_wait3A_101, %dma_wait3A_109, %dma_wait3A_110] : memref<8x128x40xf32, #tpu.memory_space<vmem>> -> memref<1x128x40xf32, #tpu.memory_space<vmem>>
      %dma_wait3A_112 = tpu.memref_squeeze %dma_wait3A_111 : memref<1x128x40xf32, #tpu.memory_space<vmem>> -> memref<128x40xf32, #tpu.memory_space<vmem>>
      %dma_wait3A_113 = arith.constant 0 : i32
      %dma_wait3A_114 = arith.constant 0 : i32
      %dma_wait3A_115 = tpu.memref_slice %arg2[%dma_wait3A_113, %dma_wait3A_114] : memref<10240x40xf32, #tpu.memory_space<hbm>> -> memref<128x40xf32, #tpu.memory_space<hbm>>
      tpu.wait_dma2 semaphore(%arg12 : memref<!tpu.dma_semaphore, #tpu.memory_space<semaphore_mem>>) src(%dma_wait3A_115 : memref<128x40xf32, #tpu.memory_space<hbm>>) dst(%dma_wait3A_112 : memref<128x40xf32, #tpu.memory_space<vmem>>)
      %rem3A = arith.constant 8 : i32
      %rem3A_116 = arith.remsi %scan3A_100, %rem3A : i32
      %dma_start3A_117 = arith.constant 0 : i32
      %dma_start3A_118 = arith.constant 0 : i32
      %dma_start3A_119 = tpu.memref_slice %arg11[%rem3A_116, %dma_start3A_117, %dma_start3A_118] : memref<8x128x40xf32, #tpu.memory_space<vmem>> -> memref<1x128x40xf32, #tpu.memory_space<vmem>>
      %dma_start3A_120 = tpu.memref_squeeze %dma_start3A_119 : memref<1x128x40xf32, #tpu.memory_space<vmem>> -> memref<128x40xf32, #tpu.memory_space<vmem>>
      %dma_start3A_121 = arith.constant 0 : i32
      %dma_start3A_122 = tpu.memref_slice %arg10[%scan3A_100, %dma_start3A_121] : memref<79x128xi32, #tpu.memory_space<vmem>> -> memref<1x128xi32, #tpu.memory_space<vmem>>
      %dma_start3A_123 = tpu.memref_squeeze %dma_start3A_122 : memref<1x128xi32, #tpu.memory_space<vmem>> -> memref<128xi32, #tpu.memory_space<vmem>>
      %dma_start3A_124 = arith.constant 0 : i32
      %dma_start3A_125 = arith.constant 0 : i32
      %dma_start3A_126 = tpu.memref_slice %arg8[%dma_start3A_124, %dma_start3A_125] : memref<10048x40xf32, #tpu.memory_space<vmem_shared>> -> memref<10048x40xf32, #tpu.memory_space<vmem_shared>>
      tpu.enqueue_indirect_dma source(%dma_start3A_120 : memref<128x40xf32, #tpu.memory_space<vmem>>) target(%dma_start3A_126 : memref<10048x40xf32, #tpu.memory_space<vmem_shared>>) offsets(%dma_start3A_123 : memref<128xi32, #tpu.memory_space<vmem>>) semaphore(%arg13 : memref<!tpu.dma_semaphore, #tpu.memory_space<semaphore_mem>>) {add = true}
      %ge3A = arith.constant 2 : i32
      %ge3A_127 = arith.cmpi sge, %scan3A_100, %ge3A : i32
      %convert_element_type3A = arith.extui %ge3A_127 : i1 to i32
      %cond3A = arith.constant 0 : i32
      %cond3A_128 = arith.cmpi ne, %convert_element_type3A, %cond3A : i32
      scf.if %cond3A_128 {
        %dma_wait3A_135 = arith.constant 0 : i32
        %dma_wait3A_136 = arith.constant 0 : i32
        %dma_wait3A_137 = arith.constant 0 : i32
        %dma_wait3A_138 = tpu.memref_slice %arg11[%dma_wait3A_135, %dma_wait3A_136, %dma_wait3A_137] : memref<8x128x40xf32, #tpu.memory_space<vmem>> -> memref<1x128x40xf32, #tpu.memory_space<vmem>>
        %dma_wait3A_139 = tpu.memref_squeeze %dma_wait3A_138 : memref<1x128x40xf32, #tpu.memory_space<vmem>> -> memref<128x40xf32, #tpu.memory_space<vmem>>
        %dma_wait3A_140 = arith.constant 0 : i32
        %dma_wait3A_141 = arith.constant 0 : i32
        %dma_wait3A_142 = tpu.memref_slice %arg2[%dma_wait3A_140, %dma_wait3A_141] : memref<10240x40xf32, #tpu.memory_space<hbm>> -> memref<128x40xf32, #tpu.memory_space<hbm>>
        %dma_wait3A_143 = arith.constant 0 : i32
        %dma_wait3A_144 = arith.constant 0 : i32
        %dma_wait3A_145 = tpu.memref_slice %arg11[%dma_wait3A_135, %dma_wait3A_143, %dma_wait3A_144] : memref<8x128x40xf32, #tpu.memory_space<vmem>> -> memref<1x128x40xf32, #tpu.memory_space<vmem>>
        %dma_wait3A_146 = tpu.memref_squeeze %dma_wait3A_145 : memref<1x128x40xf32, #tpu.memory_space<vmem>> -> memref<128x40xf32, #tpu.memory_space<vmem>>
        %dma_wait3A_147 = arith.constant 0 : i32
        %dma_wait3A_148 = arith.constant 0 : i32
        %dma_wait3A_149 = tpu.memref_slice %arg2[%dma_wait3A_147, %dma_wait3A_148] : memref<10240x40xf32, #tpu.memory_space<hbm>> -> memref<128x40xf32, #tpu.memory_space<hbm>>
        tpu.wait_dma2 semaphore(%arg13 : memref<!tpu.dma_semaphore, #tpu.memory_space<semaphore_mem>>) src(%dma_wait3A_149 : memref<128x40xf32, #tpu.memory_space<hbm>>) dst(%dma_wait3A_146 : memref<128x40xf32, #tpu.memory_space<vmem>>)
      } else {
      }
      %add3A_129 = arith.constant 5 : i32
      %add3A_130 = arith.addi %scan3A_100, %add3A_129 : i32
      %lt3A = arith.constant 79 : i32
      %lt3A_131 = arith.cmpi slt, %add3A_130, %lt3A : i32
      %convert_element_type3A_132 = arith.extui %lt3A_131 : i1 to i32
      %cond3A_133 = arith.constant 0 : i32
      %cond3A_134 = arith.cmpi ne, %convert_element_type3A_132, %cond3A_133 : i32
      scf.if %cond3A_134 {
        %add3A_135 = arith.constant 5 : i32
        %add3A_136 = arith.addi %scan3A_100, %add3A_135 : i32
        %add3A_137 = arith.constant 5 : i32
        %add3A_138 = arith.addi %scan3A_100, %add3A_137 : i32
        %rem3A_139 = arith.constant 8 : i32
        %rem3A_140 = arith.remsi %add3A_138, %rem3A_139 : i32
        %dma_start3A_141 = arith.constant 0 : i32
        %dma_start3A_142 = arith.constant 0 : i32
        %dma_start3A_143 = tpu.memref_slice %arg11[%rem3A_140, %dma_start3A_141, %dma_start3A_142] : memref<8x128x40xf32, #tpu.memory_space<vmem>> -> memref<1x128x40xf32, #tpu.memory_space<vmem>>
        %dma_start3A_144 = tpu.memref_squeeze %dma_start3A_143 : memref<1x128x40xf32, #tpu.memory_space<vmem>> -> memref<128x40xf32, #tpu.memory_space<vmem>>
        %dma_start3A_145 = arith.constant 0 : i32
        %dma_start3A_146 = tpu.memref_slice %arg9[%add3A_136, %dma_start3A_145] : memref<79x128xi32, #tpu.memory_space<vmem>> -> memref<1x128xi32, #tpu.memory_space<vmem>>
        %dma_start3A_147 = tpu.memref_squeeze %dma_start3A_146 : memref<1x128xi32, #tpu.memory_space<vmem>> -> memref<128xi32, #tpu.memory_space<vmem>>
        %dma_start3A_148 = arith.constant 0 : i32
        %dma_start3A_149 = arith.constant 0 : i32
        %dma_start3A_150 = tpu.memref_slice %arg7[%dma_start3A_148, %dma_start3A_149] : memref<10048x40xf32, #tpu.memory_space<vmem_shared>> -> memref<10048x40xf32, #tpu.memory_space<vmem_shared>>
        tpu.enqueue_indirect_dma source(%dma_start3A_150 : memref<10048x40xf32, #tpu.memory_space<vmem_shared>>) target(%dma_start3A_144 : memref<128x40xf32, #tpu.memory_space<vmem>>) offsets(%dma_start3A_147 : memref<128xi32, #tpu.memory_space<vmem>>) semaphore(%arg12 : memref<!tpu.dma_semaphore, #tpu.memory_space<semaphore_mem>>)
      } else {
      }
    }
    %scan3A_66 = arith.constant 79 : i32
    %dma_wait3A = arith.constant 0 : i32
    %dma_wait3A_67 = arith.constant 0 : i32
    %dma_wait3A_68 = arith.constant 0 : i32
    %dma_wait3A_69 = tpu.memref_slice %arg11[%dma_wait3A, %dma_wait3A_67, %dma_wait3A_68] : memref<8x128x40xf32, #tpu.memory_space<vmem>> -> memref<1x128x40xf32, #tpu.memory_space<vmem>>
    %dma_wait3A_70 = tpu.memref_squeeze %dma_wait3A_69 : memref<1x128x40xf32, #tpu.memory_space<vmem>> -> memref<128x40xf32, #tpu.memory_space<vmem>>
    %dma_wait3A_71 = arith.constant 0 : i32
    %dma_wait3A_72 = arith.constant 0 : i32
    %dma_wait3A_73 = tpu.memref_slice %arg2[%dma_wait3A_71, %dma_wait3A_72] : memref<10240x40xf32, #tpu.memory_space<hbm>> -> memref<128x40xf32, #tpu.memory_space<hbm>>
    %dma_wait3A_74 = arith.constant 0 : i32
    %dma_wait3A_75 = arith.constant 0 : i32
    %dma_wait3A_76 = tpu.memref_slice %arg11[%dma_wait3A, %dma_wait3A_74, %dma_wait3A_75] : memref<8x128x40xf32, #tpu.memory_space<vmem>> -> memref<1x128x40xf32, #tpu.memory_space<vmem>>
    %dma_wait3A_77 = tpu.memref_squeeze %dma_wait3A_76 : memref<1x128x40xf32, #tpu.memory_space<vmem>> -> memref<128x40xf32, #tpu.memory_space<vmem>>
    %dma_wait3A_78 = arith.constant 0 : i32
    %dma_wait3A_79 = arith.constant 0 : i32
    %dma_wait3A_80 = tpu.memref_slice %arg2[%dma_wait3A_78, %dma_wait3A_79] : memref<10240x40xf32, #tpu.memory_space<hbm>> -> memref<128x40xf32, #tpu.memory_space<hbm>>
    tpu.wait_dma2 semaphore(%arg13 : memref<!tpu.dma_semaphore, #tpu.memory_space<semaphore_mem>>) src(%dma_wait3A_80 : memref<128x40xf32, #tpu.memory_space<hbm>>) dst(%dma_wait3A_77 : memref<128x40xf32, #tpu.memory_space<vmem>>)
    %dma_wait3A_81 = arith.constant 0 : i32
    %dma_wait3A_82 = arith.constant 0 : i32
    %dma_wait3A_83 = arith.constant 0 : i32
    %dma_wait3A_84 = tpu.memref_slice %arg11[%dma_wait3A_81, %dma_wait3A_82, %dma_wait3A_83] : memref<8x128x40xf32, #tpu.memory_space<vmem>> -> memref<1x128x40xf32, #tpu.memory_space<vmem>>
    %dma_wait3A_85 = tpu.memref_squeeze %dma_wait3A_84 : memref<1x128x40xf32, #tpu.memory_space<vmem>> -> memref<128x40xf32, #tpu.memory_space<vmem>>
    %dma_wait3A_86 = arith.constant 0 : i32
    %dma_wait3A_87 = arith.constant 0 : i32
    %dma_wait3A_88 = tpu.memref_slice %arg2[%dma_wait3A_86, %dma_wait3A_87] : memref<10240x40xf32, #tpu.memory_space<hbm>> -> memref<128x40xf32, #tpu.memory_space<hbm>>
    %dma_wait3A_89 = arith.constant 0 : i32
    %dma_wait3A_90 = arith.constant 0 : i32
    %dma_wait3A_91 = tpu.memref_slice %arg11[%dma_wait3A_81, %dma_wait3A_89, %dma_wait3A_90] : memref<8x128x40xf32, #tpu.memory_space<vmem>> -> memref<1x128x40xf32, #tpu.memory_space<vmem>>
    %dma_wait3A_92 = tpu.memref_squeeze %dma_wait3A_91 : memref<1x128x40xf32, #tpu.memory_space<vmem>> -> memref<128x40xf32, #tpu.memory_space<vmem>>
    %dma_wait3A_93 = arith.constant 0 : i32
    %dma_wait3A_94 = arith.constant 0 : i32
    %dma_wait3A_95 = tpu.memref_slice %arg2[%dma_wait3A_93, %dma_wait3A_94] : memref<10240x40xf32, #tpu.memory_space<hbm>> -> memref<128x40xf32, #tpu.memory_space<hbm>>
    tpu.wait_dma2 semaphore(%arg13 : memref<!tpu.dma_semaphore, #tpu.memory_space<semaphore_mem>>) src(%dma_wait3A_95 : memref<128x40xf32, #tpu.memory_space<hbm>>) dst(%dma_wait3A_92 : memref<128x40xf32, #tpu.memory_space<vmem>>)
    %barrier3A_96 = arith.constant 0 : index
    tpu.barrier barrier_id(%barrier3A_96)
    %mul3A_97 = arith.constant 10240 : i32
    %mul3A_98 = arith.muli %arg0, %mul3A_97 : i32
    %add3A_99 = arith.addi %mul3A_98, %mul3A_2 : i32
    "tpu.region"() ({
      %run_scoped3A = tpu.sem_alloc : memref<!tpu.dma_semaphore, #tpu.memory_space<semaphore_mem>>
      %dma_start3A_100 = arith.constant 0 : i32
      %dma_start3A_101 = tpu.memref_slice %arg6[%add3A_99, %dma_start3A_100] : memref<20480x40xf32, #tpu.memory_space<hbm>> -> memref<628x40xf32, #tpu.memory_space<hbm>>
      %dma_start3A_102 = arith.constant 0 : i32
      %dma_start3A_103 = tpu.memref_slice %arg8[%mul3A_2, %dma_start3A_102] : memref<10048x40xf32, #tpu.memory_space<vmem_shared>> -> memref<628x40xf32, #tpu.memory_space<vmem_shared>>
      tpu.enqueue_dma source(%dma_start3A_103 : memref<628x40xf32, #tpu.memory_space<vmem_shared>>) target(%dma_start3A_101 : memref<628x40xf32, #tpu.memory_space<hbm>>) target_semaphore(%run_scoped3A : memref<!tpu.dma_semaphore, #tpu.memory_space<semaphore_mem>>)
      %dma_wait3A_104 = arith.constant 0 : i32
      %dma_wait3A_105 = tpu.memref_slice %arg6[%add3A_99, %dma_wait3A_104] : memref<20480x40xf32, #tpu.memory_space<hbm>> -> memref<628x40xf32, #tpu.memory_space<hbm>>
      %dma_wait3A_106 = arith.constant 0 : i32
      %dma_wait3A_107 = tpu.memref_slice %arg8[%mul3A_2, %dma_wait3A_106] : memref<10048x40xf32, #tpu.memory_space<vmem_shared>> -> memref<628x40xf32, #tpu.memory_space<vmem_shared>>
      tpu.wait_dma2 semaphore(%run_scoped3A : memref<!tpu.dma_semaphore, #tpu.memory_space<semaphore_mem>>) src(%dma_wait3A_107 : memref<628x40xf32, #tpu.memory_space<vmem_shared>>) dst(%dma_wait3A_105 : memref<628x40xf32, #tpu.memory_space<hbm>>)
      tpu.yield
    }) : () -> ()
    return
  }
}

#map = affine_map<(d0, d1) -> (0, 0)>
#map1 = affine_map<(d0, d1) -> (0, 0, 0)>
module attributes {stable_mosaic.version = 14 : i64} {
  func.func @hop_kernel(%arg0: i32, %arg1: i32, %arg2: memref<10240x40xf32, #tpu.memory_space<hbm>>, %arg3: memref<32x79x128xi32, #tpu.memory_space<hbm>>, %arg4: memref<32x79x128xi32, #tpu.memory_space<hbm>>, %arg5: memref<628x40xf32, #tpu.memory_space<hbm>>, %arg6: memref<20480x40xf32, #tpu.memory_space<hbm>>, %arg7: memref<10048x40xf32, #tpu.memory_space<vmem_shared>>, %arg8: memref<10048x40xf32, #tpu.memory_space<vmem_shared>>, %arg9: memref<79x128xi32, #tpu.memory_space<vmem>>, %arg10: memref<79x128xi32, #tpu.memory_space<vmem>>, %arg11: memref<8x128x40xf32, #tpu.memory_space<vmem>>, %arg12: memref<!tpu.dma_semaphore, #tpu.memory_space<semaphore_mem>>, %arg13: memref<!tpu.dma_semaphore, #tpu.memory_space<semaphore_mem>>) attributes {dimension_semantics = [#tpu.dimension_semantics<core_parallel>, #tpu.dimension_semantics<subcore_parallel>], iteration_bounds = array<i64: 2, 16>, scalar_prefetch = 0 : i64, scratch_operands = 7 : i64, tpu.core_type = #tpu.core_type<sc_vector_subcore>, window_params = [{transform_indices = #map}, {transform_indices = #map1}, {transform_indices = #map1}, {transform_indices = #map}, {transform_indices = #map}]} {
    %mul3A = arith.constant 2 : i32
    %mul3A_0 = arith.muli %arg1, %mul3A : i32
    %add3A = arith.addi %mul3A_0, %arg0 : i32
    %mul3A_1 = arith.constant 628 : i32
    %mul3A_2 = arith.muli %arg1, %mul3A_1 : i32
    "tpu.region"() ({
      %run_scoped3A = tpu.sem_alloc : memref<!tpu.dma_semaphore, #tpu.memory_space<semaphore_mem>>
      %dma_start3A_100 = arith.constant 0 : i32
      %dma_start3A_101 = tpu.memref_slice %arg7[%mul3A_2, %dma_start3A_100] : memref<10048x40xf32, #tpu.memory_space<vmem_shared>> -> memref<628x40xf32, #tpu.memory_space<vmem_shared>>
      %dma_start3A_102 = arith.constant 0 : i32
      %dma_start3A_103 = tpu.memref_slice %arg2[%mul3A_2, %dma_start3A_102] : memref<10240x40xf32, #tpu.memory_space<hbm>> -> memref<628x40xf32, #tpu.memory_space<hbm>>
      tpu.enqueue_dma source(%dma_start3A_103 : memref<628x40xf32, #tpu.memory_space<hbm>>) target(%dma_start3A_101 : memref<628x40xf32, #tpu.memory_space<vmem_shared>>) target_semaphore(%run_scoped3A : memref<!tpu.dma_semaphore, #tpu.memory_space<semaphore_mem>>)
      %dma_wait3A_104 = arith.constant 0 : i32
      %dma_wait3A_105 = tpu.memref_slice %arg7[%mul3A_2, %dma_wait3A_104] : memref<10048x40xf32, #tpu.memory_space<vmem_shared>> -> memref<628x40xf32, #tpu.memory_space<vmem_shared>>
      %dma_wait3A_106 = arith.constant 0 : i32
      %dma_wait3A_107 = tpu.memref_slice %arg2[%mul3A_2, %dma_wait3A_106] : memref<10240x40xf32, #tpu.memory_space<hbm>> -> memref<628x40xf32, #tpu.memory_space<hbm>>
      tpu.wait_dma2 semaphore(%run_scoped3A : memref<!tpu.dma_semaphore, #tpu.memory_space<semaphore_mem>>) src(%dma_wait3A_107 : memref<628x40xf32, #tpu.memory_space<hbm>>) dst(%dma_wait3A_105 : memref<628x40xf32, #tpu.memory_space<vmem_shared>>)
      tpu.yield
    }) : () -> ()
    "tpu.region"() ({
      %run_scoped3A = tpu.sem_alloc : memref<!tpu.dma_semaphore, #tpu.memory_space<semaphore_mem>>
      %dma_start3A_100 = arith.constant 0 : i32
      %dma_start3A_101 = tpu.memref_slice %arg8[%mul3A_2, %dma_start3A_100] : memref<10048x40xf32, #tpu.memory_space<vmem_shared>> -> memref<628x40xf32, #tpu.memory_space<vmem_shared>>
      tpu.enqueue_dma source(%arg5 : memref<628x40xf32, #tpu.memory_space<hbm>>) target(%dma_start3A_101 : memref<628x40xf32, #tpu.memory_space<vmem_shared>>) target_semaphore(%run_scoped3A : memref<!tpu.dma_semaphore, #tpu.memory_space<semaphore_mem>>)
      %dma_wait3A_102 = arith.constant 0 : i32
      %dma_wait3A_103 = tpu.memref_slice %arg8[%mul3A_2, %dma_wait3A_102] : memref<10048x40xf32, #tpu.memory_space<vmem_shared>> -> memref<628x40xf32, #tpu.memory_space<vmem_shared>>
      tpu.wait_dma2 semaphore(%run_scoped3A : memref<!tpu.dma_semaphore, #tpu.memory_space<semaphore_mem>>) src(%arg5 : memref<628x40xf32, #tpu.memory_space<hbm>>) dst(%dma_wait3A_103 : memref<628x40xf32, #tpu.memory_space<vmem_shared>>)
      tpu.yield
    }) : () -> ()
    "tpu.region"() ({
      %run_scoped3A = tpu.sem_alloc : memref<!tpu.dma_semaphore, #tpu.memory_space<semaphore_mem>>
      %dma_start3A_100 = arith.constant 0 : i32
      %dma_start3A_101 = arith.constant 0 : i32
      %dma_start3A_102 = tpu.memref_slice %arg3[%add3A, %dma_start3A_100, %dma_start3A_101] : memref<32x79x128xi32, #tpu.memory_space<hbm>> -> memref<1x79x128xi32, #tpu.memory_space<hbm>>
      %dma_start3A_103 = tpu.memref_squeeze %dma_start3A_102 : memref<1x79x128xi32, #tpu.memory_space<hbm>> -> memref<79x128xi32, #tpu.memory_space<hbm>>
      %dma_start3A_104 = arith.constant 0 : i32
      %dma_start3A_105 = arith.constant 0 : i32
      %dma_start3A_106 = tpu.memref_slice %arg3[%add3A, %dma_start3A_104, %dma_start3A_105] : memref<32x79x128xi32, #tpu.memory_space<hbm>> -> memref<1x79x128xi32, #tpu.memory_space<hbm>>
      %dma_start3A_107 = tpu.memref_squeeze %dma_start3A_106 : memref<1x79x128xi32, #tpu.memory_space<hbm>> -> memref<79x128xi32, #tpu.memory_space<hbm>>
      tpu.enqueue_dma source(%dma_start3A_107 : memref<79x128xi32, #tpu.memory_space<hbm>>) target(%arg9 : memref<79x128xi32, #tpu.memory_space<vmem>>) target_semaphore(%run_scoped3A : memref<!tpu.dma_semaphore, #tpu.memory_space<semaphore_mem>>)
      %dma_wait3A_108 = arith.constant 0 : i32
      %dma_wait3A_109 = arith.constant 0 : i32
      %dma_wait3A_110 = tpu.memref_slice %arg3[%add3A, %dma_wait3A_108, %dma_wait3A_109] : memref<32x79x128xi32, #tpu.memory_space<hbm>> -> memref<1x79x128xi32, #tpu.memory_space<hbm>>
      %dma_wait3A_111 = tpu.memref_squeeze %dma_wait3A_110 : memref<1x79x128xi32, #tpu.memory_space<hbm>> -> memref<79x128xi32, #tpu.memory_space<hbm>>
      %dma_wait3A_112 = arith.constant 0 : i32
      %dma_wait3A_113 = arith.constant 0 : i32
      %dma_wait3A_114 = tpu.memref_slice %arg3[%add3A, %dma_wait3A_112, %dma_wait3A_113] : memref<32x79x128xi32, #tpu.memory_space<hbm>> -> memref<1x79x128xi32, #tpu.memory_space<hbm>>
      %dma_wait3A_115 = tpu.memref_squeeze %dma_wait3A_114 : memref<1x79x128xi32, #tpu.memory_space<hbm>> -> memref<79x128xi32, #tpu.memory_space<hbm>>
      tpu.wait_dma2 semaphore(%run_scoped3A : memref<!tpu.dma_semaphore, #tpu.memory_space<semaphore_mem>>) src(%dma_wait3A_115 : memref<79x128xi32, #tpu.memory_space<hbm>>) dst(%arg9 : memref<79x128xi32, #tpu.memory_space<vmem>>)
      tpu.yield
    }) : () -> ()
    "tpu.region"() ({
      %run_scoped3A = tpu.sem_alloc : memref<!tpu.dma_semaphore, #tpu.memory_space<semaphore_mem>>
      %dma_start3A_100 = arith.constant 0 : i32
      %dma_start3A_101 = arith.constant 0 : i32
      %dma_start3A_102 = tpu.memref_slice %arg4[%add3A, %dma_start3A_100, %dma_start3A_101] : memref<32x79x128xi32, #tpu.memory_space<hbm>> -> memref<1x79x128xi32, #tpu.memory_space<hbm>>
      %dma_start3A_103 = tpu.memref_squeeze %dma_start3A_102 : memref<1x79x128xi32, #tpu.memory_space<hbm>> -> memref<79x128xi32, #tpu.memory_space<hbm>>
      %dma_start3A_104 = arith.constant 0 : i32
      %dma_start3A_105 = arith.constant 0 : i32
      %dma_start3A_106 = tpu.memref_slice %arg4[%add3A, %dma_start3A_104, %dma_start3A_105] : memref<32x79x128xi32, #tpu.memory_space<hbm>> -> memref<1x79x128xi32, #tpu.memory_space<hbm>>
      %dma_start3A_107 = tpu.memref_squeeze %dma_start3A_106 : memref<1x79x128xi32, #tpu.memory_space<hbm>> -> memref<79x128xi32, #tpu.memory_space<hbm>>
      tpu.enqueue_dma source(%dma_start3A_107 : memref<79x128xi32, #tpu.memory_space<hbm>>) target(%arg10 : memref<79x128xi32, #tpu.memory_space<vmem>>) target_semaphore(%run_scoped3A : memref<!tpu.dma_semaphore, #tpu.memory_space<semaphore_mem>>)
      %dma_wait3A_108 = arith.constant 0 : i32
      %dma_wait3A_109 = arith.constant 0 : i32
      %dma_wait3A_110 = tpu.memref_slice %arg4[%add3A, %dma_wait3A_108, %dma_wait3A_109] : memref<32x79x128xi32, #tpu.memory_space<hbm>> -> memref<1x79x128xi32, #tpu.memory_space<hbm>>
      %dma_wait3A_111 = tpu.memref_squeeze %dma_wait3A_110 : memref<1x79x128xi32, #tpu.memory_space<hbm>> -> memref<79x128xi32, #tpu.memory_space<hbm>>
      %dma_wait3A_112 = arith.constant 0 : i32
      %dma_wait3A_113 = arith.constant 0 : i32
      %dma_wait3A_114 = tpu.memref_slice %arg4[%add3A, %dma_wait3A_112, %dma_wait3A_113] : memref<32x79x128xi32, #tpu.memory_space<hbm>> -> memref<1x79x128xi32, #tpu.memory_space<hbm>>
      %dma_wait3A_115 = tpu.memref_squeeze %dma_wait3A_114 : memref<1x79x128xi32, #tpu.memory_space<hbm>> -> memref<79x128xi32, #tpu.memory_space<hbm>>
      tpu.wait_dma2 semaphore(%run_scoped3A : memref<!tpu.dma_semaphore, #tpu.memory_space<semaphore_mem>>) src(%dma_wait3A_115 : memref<79x128xi32, #tpu.memory_space<hbm>>) dst(%arg10 : memref<79x128xi32, #tpu.memory_space<vmem>>)
      tpu.yield
    }) : () -> ()
    %barrier3A = arith.constant 0 : index
    tpu.barrier barrier_id(%barrier3A)
    %dma_start3A = arith.constant 0 : i32
    %dma_start3A_3 = arith.constant 0 : i32
    %dma_start3A_4 = arith.constant 0 : i32
    %dma_start3A_5 = arith.constant 0 : i32
    %dma_start3A_6 = tpu.memref_slice %arg11[%dma_start3A_3, %dma_start3A_4, %dma_start3A_5] : memref<8x128x40xf32, #tpu.memory_space<vmem>> -> memref<1x128x40xf32, #tpu.memory_space<vmem>>
    %dma_start3A_7 = tpu.memref_squeeze %dma_start3A_6 : memref<1x128x40xf32, #tpu.memory_space<vmem>> -> memref<128x40xf32, #tpu.memory_space<vmem>>
    %dma_start3A_8 = arith.constant 0 : i32
    %dma_start3A_9 = tpu.memref_slice %arg9[%dma_start3A, %dma_start3A_8] : memref<79x128xi32, #tpu.memory_space<vmem>> -> memref<1x128xi32, #tpu.memory_space<vmem>>
    %dma_start3A_10 = tpu.memref_squeeze %dma_start3A_9 : memref<1x128xi32, #tpu.memory_space<vmem>> -> memref<128xi32, #tpu.memory_space<vmem>>
    %dma_start3A_11 = arith.constant 0 : i32
    %dma_start3A_12 = arith.constant 0 : i32
    %dma_start3A_13 = tpu.memref_slice %arg7[%dma_start3A_11, %dma_start3A_12] : memref<10048x40xf32, #tpu.memory_space<vmem_shared>> -> memref<10048x40xf32, #tpu.memory_space<vmem_shared>>
    tpu.enqueue_indirect_dma source(%dma_start3A_13 : memref<10048x40xf32, #tpu.memory_space<vmem_shared>>) target(%dma_start3A_7 : memref<128x40xf32, #tpu.memory_space<vmem>>) offsets(%dma_start3A_10 : memref<128xi32, #tpu.memory_space<vmem>>) semaphore(%arg12 : memref<!tpu.dma_semaphore, #tpu.memory_space<semaphore_mem>>)
    %dma_start3A_14 = arith.constant 1 : i32
    %dma_start3A_15 = arith.constant 1 : i32
    %dma_start3A_16 = arith.constant 0 : i32
    %dma_start3A_17 = arith.constant 0 : i32
    %dma_start3A_18 = tpu.memref_slice %arg11[%dma_start3A_15, %dma_start3A_16, %dma_start3A_17] : memref<8x128x40xf32, #tpu.memory_space<vmem>> -> memref<1x128x40xf32, #tpu.memory_space<vmem>>
    %dma_start3A_19 = tpu.memref_squeeze %dma_start3A_18 : memref<1x128x40xf32, #tpu.memory_space<vmem>> -> memref<128x40xf32, #tpu.memory_space<vmem>>
    %dma_start3A_20 = arith.constant 0 : i32
    %dma_start3A_21 = tpu.memref_slice %arg9[%dma_start3A_14, %dma_start3A_20] : memref<79x128xi32, #tpu.memory_space<vmem>> -> memref<1x128xi32, #tpu.memory_space<vmem>>
    %dma_start3A_22 = tpu.memref_squeeze %dma_start3A_21 : memref<1x128xi32, #tpu.memory_space<vmem>> -> memref<128xi32, #tpu.memory_space<vmem>>
    %dma_start3A_23 = arith.constant 0 : i32
    %dma_start3A_24 = arith.constant 0 : i32
    %dma_start3A_25 = tpu.memref_slice %arg7[%dma_start3A_23, %dma_start3A_24] : memref<10048x40xf32, #tpu.memory_space<vmem_shared>> -> memref<10048x40xf32, #tpu.memory_space<vmem_shared>>
    tpu.enqueue_indirect_dma source(%dma_start3A_25 : memref<10048x40xf32, #tpu.memory_space<vmem_shared>>) target(%dma_start3A_19 : memref<128x40xf32, #tpu.memory_space<vmem>>) offsets(%dma_start3A_22 : memref<128xi32, #tpu.memory_space<vmem>>) semaphore(%arg12 : memref<!tpu.dma_semaphore, #tpu.memory_space<semaphore_mem>>)
    %dma_start3A_26 = arith.constant 2 : i32
    %dma_start3A_27 = arith.constant 2 : i32
    %dma_start3A_28 = arith.constant 0 : i32
    %dma_start3A_29 = arith.constant 0 : i32
    %dma_start3A_30 = tpu.memref_slice %arg11[%dma_start3A_27, %dma_start3A_28, %dma_start3A_29] : memref<8x128x40xf32, #tpu.memory_space<vmem>> -> memref<1x128x40xf32, #tpu.memory_space<vmem>>
    %dma_start3A_31 = tpu.memref_squeeze %dma_start3A_30 : memref<1x128x40xf32, #tpu.memory_space<vmem>> -> memref<128x40xf32, #tpu.memory_space<vmem>>
    %dma_start3A_32 = arith.constant 0 : i32
    %dma_start3A_33 = tpu.memref_slice %arg9[%dma_start3A_26, %dma_start3A_32] : memref<79x128xi32, #tpu.memory_space<vmem>> -> memref<1x128xi32, #tpu.memory_space<vmem>>
    %dma_start3A_34 = tpu.memref_squeeze %dma_start3A_33 : memref<1x128xi32, #tpu.memory_space<vmem>> -> memref<128xi32, #tpu.memory_space<vmem>>
    %dma_start3A_35 = arith.constant 0 : i32
    %dma_start3A_36 = arith.constant 0 : i32
    %dma_start3A_37 = tpu.memref_slice %arg7[%dma_start3A_35, %dma_start3A_36] : memref<10048x40xf32, #tpu.memory_space<vmem_shared>> -> memref<10048x40xf32, #tpu.memory_space<vmem_shared>>
    tpu.enqueue_indirect_dma source(%dma_start3A_37 : memref<10048x40xf32, #tpu.memory_space<vmem_shared>>) target(%dma_start3A_31 : memref<128x40xf32, #tpu.memory_space<vmem>>) offsets(%dma_start3A_34 : memref<128xi32, #tpu.memory_space<vmem>>) semaphore(%arg12 : memref<!tpu.dma_semaphore, #tpu.memory_space<semaphore_mem>>)
    %dma_start3A_38 = arith.constant 3 : i32
    %dma_start3A_39 = arith.constant 3 : i32
    %dma_start3A_40 = arith.constant 0 : i32
    %dma_start3A_41 = arith.constant 0 : i32
    %dma_start3A_42 = tpu.memref_slice %arg11[%dma_start3A_39, %dma_start3A_40, %dma_start3A_41] : memref<8x128x40xf32, #tpu.memory_space<vmem>> -> memref<1x128x40xf32, #tpu.memory_space<vmem>>
    %dma_start3A_43 = tpu.memref_squeeze %dma_start3A_42 : memref<1x128x40xf32, #tpu.memory_space<vmem>> -> memref<128x40xf32, #tpu.memory_space<vmem>>
    %dma_start3A_44 = arith.constant 0 : i32
    %dma_start3A_45 = tpu.memref_slice %arg9[%dma_start3A_38, %dma_start3A_44] : memref<79x128xi32, #tpu.memory_space<vmem>> -> memref<1x128xi32, #tpu.memory_space<vmem>>
    %dma_start3A_46 = tpu.memref_squeeze %dma_start3A_45 : memref<1x128xi32, #tpu.memory_space<vmem>> -> memref<128xi32, #tpu.memory_space<vmem>>
    %dma_start3A_47 = arith.constant 0 : i32
    %dma_start3A_48 = arith.constant 0 : i32
    %dma_start3A_49 = tpu.memref_slice %arg7[%dma_start3A_47, %dma_start3A_48] : memref<10048x40xf32, #tpu.memory_space<vmem_shared>> -> memref<10048x40xf32, #tpu.memory_space<vmem_shared>>
    tpu.enqueue_indirect_dma source(%dma_start3A_49 : memref<10048x40xf32, #tpu.memory_space<vmem_shared>>) target(%dma_start3A_43 : memref<128x40xf32, #tpu.memory_space<vmem>>) offsets(%dma_start3A_46 : memref<128xi32, #tpu.memory_space<vmem>>) semaphore(%arg12 : memref<!tpu.dma_semaphore, #tpu.memory_space<semaphore_mem>>)
    %dma_start3A_50 = arith.constant 4 : i32
    %dma_start3A_51 = arith.constant 4 : i32
    %dma_start3A_52 = arith.constant 0 : i32
    %dma_start3A_53 = arith.constant 0 : i32
    %dma_start3A_54 = tpu.memref_slice %arg11[%dma_start3A_51, %dma_start3A_52, %dma_start3A_53] : memref<8x128x40xf32, #tpu.memory_space<vmem>> -> memref<1x128x40xf32, #tpu.memory_space<vmem>>
    %dma_start3A_55 = tpu.memref_squeeze %dma_start3A_54 : memref<1x128x40xf32, #tpu.memory_space<vmem>> -> memref<128x40xf32, #tpu.memory_space<vmem>>
    %dma_start3A_56 = arith.constant 0 : i32
    %dma_start3A_57 = tpu.memref_slice %arg9[%dma_start3A_50, %dma_start3A_56] : memref<79x128xi32, #tpu.memory_space<vmem>> -> memref<1x128xi32, #tpu.memory_space<vmem>>
    %dma_start3A_58 = tpu.memref_squeeze %dma_start3A_57 : memref<1x128xi32, #tpu.memory_space<vmem>> -> memref<128xi32, #tpu.memory_space<vmem>>
    %dma_start3A_59 = arith.constant 0 : i32
    %dma_start3A_60 = arith.constant 0 : i32
    %dma_start3A_61 = tpu.memref_slice %arg7[%dma_start3A_59, %dma_start3A_60] : memref<10048x40xf32, #tpu.memory_space<vmem_shared>> -> memref<10048x40xf32, #tpu.memory_space<vmem_shared>>
    tpu.enqueue_indirect_dma source(%dma_start3A_61 : memref<10048x40xf32, #tpu.memory_space<vmem_shared>>) target(%dma_start3A_55 : memref<128x40xf32, #tpu.memory_space<vmem>>) offsets(%dma_start3A_58 : memref<128xi32, #tpu.memory_space<vmem>>) semaphore(%arg12 : memref<!tpu.dma_semaphore, #tpu.memory_space<semaphore_mem>>)
    %scan3A = arith.constant 0 : i32
    %scan3A_62 = arith.constant 0 : i32
    %scan3A_63 = arith.constant 79 : i32
    %scan3A_64 = arith.addi %scan3A_62, %scan3A_63 : i32
    %scan3A_65 = arith.constant 1 : i32
    scf.for %scan3A_100 = %scan3A_62 to %scan3A_64 step %scan3A_65  : i32 {
      %dma_wait3A_101 = arith.constant 0 : i32
      %dma_wait3A_102 = arith.constant 0 : i32
      %dma_wait3A_103 = arith.constant 0 : i32
      %dma_wait3A_104 = tpu.memref_slice %arg11[%dma_wait3A_101, %dma_wait3A_102, %dma_wait3A_103] : memref<8x128x40xf32, #tpu.memory_space<vmem>> -> memref<1x128x40xf32, #tpu.memory_space<vmem>>
      %dma_wait3A_105 = tpu.memref_squeeze %dma_wait3A_104 : memref<1x128x40xf32, #tpu.memory_space<vmem>> -> memref<128x40xf32, #tpu.memory_space<vmem>>
      %dma_wait3A_106 = arith.constant 0 : i32
      %dma_wait3A_107 = arith.constant 0 : i32
      %dma_wait3A_108 = tpu.memref_slice %arg2[%dma_wait3A_106, %dma_wait3A_107] : memref<10240x40xf32, #tpu.memory_space<hbm>> -> memref<128x40xf32, #tpu.memory_space<hbm>>
      %dma_wait3A_109 = arith.constant 0 : i32
      %dma_wait3A_110 = arith.constant 0 : i32
      %dma_wait3A_111 = tpu.memref_slice %arg11[%dma_wait3A_101, %dma_wait3A_109, %dma_wait3A_110] : memref<8x128x40xf32, #tpu.memory_space<vmem>> -> memref<1x128x40xf32, #tpu.memory_space<vmem>>
      %dma_wait3A_112 = tpu.memref_squeeze %dma_wait3A_111 : memref<1x128x40xf32, #tpu.memory_space<vmem>> -> memref<128x40xf32, #tpu.memory_space<vmem>>
      %dma_wait3A_113 = arith.constant 0 : i32
      %dma_wait3A_114 = arith.constant 0 : i32
      %dma_wait3A_115 = tpu.memref_slice %arg2[%dma_wait3A_113, %dma_wait3A_114] : memref<10240x40xf32, #tpu.memory_space<hbm>> -> memref<128x40xf32, #tpu.memory_space<hbm>>
      tpu.wait_dma2 semaphore(%arg12 : memref<!tpu.dma_semaphore, #tpu.memory_space<semaphore_mem>>) src(%dma_wait3A_115 : memref<128x40xf32, #tpu.memory_space<hbm>>) dst(%dma_wait3A_112 : memref<128x40xf32, #tpu.memory_space<vmem>>)
      %rem3A = arith.constant 8 : i32
      %rem3A_116 = arith.remsi %scan3A_100, %rem3A : i32
      %dma_start3A_117 = arith.constant 0 : i32
      %dma_start3A_118 = arith.constant 0 : i32
      %dma_start3A_119 = tpu.memref_slice %arg11[%rem3A_116, %dma_start3A_117, %dma_start3A_118] : memref<8x128x40xf32, #tpu.memory_space<vmem>> -> memref<1x128x40xf32, #tpu.memory_space<vmem>>
      %dma_start3A_120 = tpu.memref_squeeze %dma_start3A_119 : memref<1x128x40xf32, #tpu.memory_space<vmem>> -> memref<128x40xf32, #tpu.memory_space<vmem>>
      %dma_start3A_121 = arith.constant 0 : i32
      %dma_start3A_122 = tpu.memref_slice %arg10[%scan3A_100, %dma_start3A_121] : memref<79x128xi32, #tpu.memory_space<vmem>> -> memref<1x128xi32, #tpu.memory_space<vmem>>
      %dma_start3A_123 = tpu.memref_squeeze %dma_start3A_122 : memref<1x128xi32, #tpu.memory_space<vmem>> -> memref<128xi32, #tpu.memory_space<vmem>>
      %dma_start3A_124 = arith.constant 0 : i32
      %dma_start3A_125 = arith.constant 0 : i32
      %dma_start3A_126 = tpu.memref_slice %arg8[%dma_start3A_124, %dma_start3A_125] : memref<10048x40xf32, #tpu.memory_space<vmem_shared>> -> memref<10048x40xf32, #tpu.memory_space<vmem_shared>>
      tpu.enqueue_indirect_dma source(%dma_start3A_120 : memref<128x40xf32, #tpu.memory_space<vmem>>) target(%dma_start3A_126 : memref<10048x40xf32, #tpu.memory_space<vmem_shared>>) offsets(%dma_start3A_123 : memref<128xi32, #tpu.memory_space<vmem>>) semaphore(%arg13 : memref<!tpu.dma_semaphore, #tpu.memory_space<semaphore_mem>>) {add = true}
      %ge3A = arith.constant 2 : i32
      %ge3A_127 = arith.cmpi sge, %scan3A_100, %ge3A : i32
      %convert_element_type3A = arith.extui %ge3A_127 : i1 to i32
      %cond3A = arith.constant 0 : i32
      %cond3A_128 = arith.cmpi ne, %convert_element_type3A, %cond3A : i32
      scf.if %cond3A_128 {
        %dma_wait3A_135 = arith.constant 0 : i32
        %dma_wait3A_136 = arith.constant 0 : i32
        %dma_wait3A_137 = arith.constant 0 : i32
        %dma_wait3A_138 = tpu.memref_slice %arg11[%dma_wait3A_135, %dma_wait3A_136, %dma_wait3A_137] : memref<8x128x40xf32, #tpu.memory_space<vmem>> -> memref<1x128x40xf32, #tpu.memory_space<vmem>>
        %dma_wait3A_139 = tpu.memref_squeeze %dma_wait3A_138 : memref<1x128x40xf32, #tpu.memory_space<vmem>> -> memref<128x40xf32, #tpu.memory_space<vmem>>
        %dma_wait3A_140 = arith.constant 0 : i32
        %dma_wait3A_141 = arith.constant 0 : i32
        %dma_wait3A_142 = tpu.memref_slice %arg2[%dma_wait3A_140, %dma_wait3A_141] : memref<10240x40xf32, #tpu.memory_space<hbm>> -> memref<128x40xf32, #tpu.memory_space<hbm>>
        %dma_wait3A_143 = arith.constant 0 : i32
        %dma_wait3A_144 = arith.constant 0 : i32
        %dma_wait3A_145 = tpu.memref_slice %arg11[%dma_wait3A_135, %dma_wait3A_143, %dma_wait3A_144] : memref<8x128x40xf32, #tpu.memory_space<vmem>> -> memref<1x128x40xf32, #tpu.memory_space<vmem>>
        %dma_wait3A_146 = tpu.memref_squeeze %dma_wait3A_145 : memref<1x128x40xf32, #tpu.memory_space<vmem>> -> memref<128x40xf32, #tpu.memory_space<vmem>>
        %dma_wait3A_147 = arith.constant 0 : i32
        %dma_wait3A_148 = arith.constant 0 : i32
        %dma_wait3A_149 = tpu.memref_slice %arg2[%dma_wait3A_147, %dma_wait3A_148] : memref<10240x40xf32, #tpu.memory_space<hbm>> -> memref<128x40xf32, #tpu.memory_space<hbm>>
        tpu.wait_dma2 semaphore(%arg13 : memref<!tpu.dma_semaphore, #tpu.memory_space<semaphore_mem>>) src(%dma_wait3A_149 : memref<128x40xf32, #tpu.memory_space<hbm>>) dst(%dma_wait3A_146 : memref<128x40xf32, #tpu.memory_space<vmem>>)
      } else {
      }
      %add3A_129 = arith.constant 5 : i32
      %add3A_130 = arith.addi %scan3A_100, %add3A_129 : i32
      %lt3A = arith.constant 79 : i32
      %lt3A_131 = arith.cmpi slt, %add3A_130, %lt3A : i32
      %convert_element_type3A_132 = arith.extui %lt3A_131 : i1 to i32
      %cond3A_133 = arith.constant 0 : i32
      %cond3A_134 = arith.cmpi ne, %convert_element_type3A_132, %cond3A_133 : i32
      scf.if %cond3A_134 {
        %add3A_135 = arith.constant 5 : i32
        %add3A_136 = arith.addi %scan3A_100, %add3A_135 : i32
        %add3A_137 = arith.constant 5 : i32
        %add3A_138 = arith.addi %scan3A_100, %add3A_137 : i32
        %rem3A_139 = arith.constant 8 : i32
        %rem3A_140 = arith.remsi %add3A_138, %rem3A_139 : i32
        %dma_start3A_141 = arith.constant 0 : i32
        %dma_start3A_142 = arith.constant 0 : i32
        %dma_start3A_143 = tpu.memref_slice %arg11[%rem3A_140, %dma_start3A_141, %dma_start3A_142] : memref<8x128x40xf32, #tpu.memory_space<vmem>> -> memref<1x128x40xf32, #tpu.memory_space<vmem>>
        %dma_start3A_144 = tpu.memref_squeeze %dma_start3A_143 : memref<1x128x40xf32, #tpu.memory_space<vmem>> -> memref<128x40xf32, #tpu.memory_space<vmem>>
        %dma_start3A_145 = arith.constant 0 : i32
        %dma_start3A_146 = tpu.memref_slice %arg9[%add3A_136, %dma_start3A_145] : memref<79x128xi32, #tpu.memory_space<vmem>> -> memref<1x128xi32, #tpu.memory_space<vmem>>
        %dma_start3A_147 = tpu.memref_squeeze %dma_start3A_146 : memref<1x128xi32, #tpu.memory_space<vmem>> -> memref<128xi32, #tpu.memory_space<vmem>>
        %dma_start3A_148 = arith.constant 0 : i32
        %dma_start3A_149 = arith.constant 0 : i32
        %dma_start3A_150 = tpu.memref_slice %arg7[%dma_start3A_148, %dma_start3A_149] : memref<10048x40xf32, #tpu.memory_space<vmem_shared>> -> memref<10048x40xf32, #tpu.memory_space<vmem_shared>>
        tpu.enqueue_indirect_dma source(%dma_start3A_150 : memref<10048x40xf32, #tpu.memory_space<vmem_shared>>) target(%dma_start3A_144 : memref<128x40xf32, #tpu.memory_space<vmem>>) offsets(%dma_start3A_147 : memref<128xi32, #tpu.memory_space<vmem>>) semaphore(%arg12 : memref<!tpu.dma_semaphore, #tpu.memory_space<semaphore_mem>>)
      } else {
      }
    }
    %scan3A_66 = arith.constant 79 : i32
    %dma_wait3A = arith.constant 0 : i32
    %dma_wait3A_67 = arith.constant 0 : i32
    %dma_wait3A_68 = arith.constant 0 : i32
    %dma_wait3A_69 = tpu.memref_slice %arg11[%dma_wait3A, %dma_wait3A_67, %dma_wait3A_68] : memref<8x128x40xf32, #tpu.memory_space<vmem>> -> memref<1x128x40xf32, #tpu.memory_space<vmem>>
    %dma_wait3A_70 = tpu.memref_squeeze %dma_wait3A_69 : memref<1x128x40xf32, #tpu.memory_space<vmem>> -> memref<128x40xf32, #tpu.memory_space<vmem>>
    %dma_wait3A_71 = arith.constant 0 : i32
    %dma_wait3A_72 = arith.constant 0 : i32
    %dma_wait3A_73 = tpu.memref_slice %arg2[%dma_wait3A_71, %dma_wait3A_72] : memref<10240x40xf32, #tpu.memory_space<hbm>> -> memref<128x40xf32, #tpu.memory_space<hbm>>
    %dma_wait3A_74 = arith.constant 0 : i32
    %dma_wait3A_75 = arith.constant 0 : i32
    %dma_wait3A_76 = tpu.memref_slice %arg11[%dma_wait3A, %dma_wait3A_74, %dma_wait3A_75] : memref<8x128x40xf32, #tpu.memory_space<vmem>> -> memref<1x128x40xf32, #tpu.memory_space<vmem>>
    %dma_wait3A_77 = tpu.memref_squeeze %dma_wait3A_76 : memref<1x128x40xf32, #tpu.memory_space<vmem>> -> memref<128x40xf32, #tpu.memory_space<vmem>>
    %dma_wait3A_78 = arith.constant 0 : i32
    %dma_wait3A_79 = arith.constant 0 : i32
    %dma_wait3A_80 = tpu.memref_slice %arg2[%dma_wait3A_78, %dma_wait3A_79] : memref<10240x40xf32, #tpu.memory_space<hbm>> -> memref<128x40xf32, #tpu.memory_space<hbm>>
    tpu.wait_dma2 semaphore(%arg13 : memref<!tpu.dma_semaphore, #tpu.memory_space<semaphore_mem>>) src(%dma_wait3A_80 : memref<128x40xf32, #tpu.memory_space<hbm>>) dst(%dma_wait3A_77 : memref<128x40xf32, #tpu.memory_space<vmem>>)
    %dma_wait3A_81 = arith.constant 0 : i32
    %dma_wait3A_82 = arith.constant 0 : i32
    %dma_wait3A_83 = arith.constant 0 : i32
    %dma_wait3A_84 = tpu.memref_slice %arg11[%dma_wait3A_81, %dma_wait3A_82, %dma_wait3A_83] : memref<8x128x40xf32, #tpu.memory_space<vmem>> -> memref<1x128x40xf32, #tpu.memory_space<vmem>>
    %dma_wait3A_85 = tpu.memref_squeeze %dma_wait3A_84 : memref<1x128x40xf32, #tpu.memory_space<vmem>> -> memref<128x40xf32, #tpu.memory_space<vmem>>
    %dma_wait3A_86 = arith.constant 0 : i32
    %dma_wait3A_87 = arith.constant 0 : i32
    %dma_wait3A_88 = tpu.memref_slice %arg2[%dma_wait3A_86, %dma_wait3A_87] : memref<10240x40xf32, #tpu.memory_space<hbm>> -> memref<128x40xf32, #tpu.memory_space<hbm>>
    %dma_wait3A_89 = arith.constant 0 : i32
    %dma_wait3A_90 = arith.constant 0 : i32
    %dma_wait3A_91 = tpu.memref_slice %arg11[%dma_wait3A_81, %dma_wait3A_89, %dma_wait3A_90] : memref<8x128x40xf32, #tpu.memory_space<vmem>> -> memref<1x128x40xf32, #tpu.memory_space<vmem>>
    %dma_wait3A_92 = tpu.memref_squeeze %dma_wait3A_91 : memref<1x128x40xf32, #tpu.memory_space<vmem>> -> memref<128x40xf32, #tpu.memory_space<vmem>>
    %dma_wait3A_93 = arith.constant 0 : i32
    %dma_wait3A_94 = arith.constant 0 : i32
    %dma_wait3A_95 = tpu.memref_slice %arg2[%dma_wait3A_93, %dma_wait3A_94] : memref<10240x40xf32, #tpu.memory_space<hbm>> -> memref<128x40xf32, #tpu.memory_space<hbm>>
    tpu.wait_dma2 semaphore(%arg13 : memref<!tpu.dma_semaphore, #tpu.memory_space<semaphore_mem>>) src(%dma_wait3A_95 : memref<128x40xf32, #tpu.memory_space<hbm>>) dst(%dma_wait3A_92 : memref<128x40xf32, #tpu.memory_space<vmem>>)
    %barrier3A_96 = arith.constant 0 : index
    tpu.barrier barrier_id(%barrier3A_96)
    %mul3A_97 = arith.constant 10240 : i32
    %mul3A_98 = arith.muli %arg0, %mul3A_97 : i32
    %add3A_99 = arith.addi %mul3A_98, %mul3A_2 : i32
    "tpu.region"() ({
      %run_scoped3A = tpu.sem_alloc : memref<!tpu.dma_semaphore, #tpu.memory_space<semaphore_mem>>
      %dma_start3A_100 = arith.constant 0 : i32
      %dma_start3A_101 = tpu.memref_slice %arg6[%add3A_99, %dma_start3A_100] : memref<20480x40xf32, #tpu.memory_space<hbm>> -> memref<628x40xf32, #tpu.memory_space<hbm>>
      %dma_start3A_102 = arith.constant 0 : i32
      %dma_start3A_103 = tpu.memref_slice %arg8[%mul3A_2, %dma_start3A_102] : memref<10048x40xf32, #tpu.memory_space<vmem_shared>> -> memref<628x40xf32, #tpu.memory_space<vmem_shared>>
      tpu.enqueue_dma source(%dma_start3A_103 : memref<628x40xf32, #tpu.memory_space<vmem_shared>>) target(%dma_start3A_101 : memref<628x40xf32, #tpu.memory_space<hbm>>) target_semaphore(%run_scoped3A : memref<!tpu.dma_semaphore, #tpu.memory_space<semaphore_mem>>)
      %dma_wait3A_104 = arith.constant 0 : i32
      %dma_wait3A_105 = tpu.memref_slice %arg6[%add3A_99, %dma_wait3A_104] : memref<20480x40xf32, #tpu.memory_space<hbm>> -> memref<628x40xf32, #tpu.memory_space<hbm>>
      %dma_wait3A_106 = arith.constant 0 : i32
      %dma_wait3A_107 = tpu.memref_slice %arg8[%mul3A_2, %dma_wait3A_106] : memref<10048x40xf32, #tpu.memory_space<vmem_shared>> -> memref<628x40xf32, #tpu.memory_space<vmem_shared>>
      tpu.wait_dma2 semaphore(%run_scoped3A : memref<!tpu.dma_semaphore, #tpu.memory_space<semaphore_mem>>) src(%dma_wait3A_107 : memref<628x40xf32, #tpu.memory_space<vmem_shared>>) dst(%dma_wait3A_105 : memref<628x40xf32, #tpu.memory_space<hbm>>)
      tpu.yield
    }) : () -> ()
    return
  }
}

module attributes {stable_mosaic.version = 14 : i64} {
  func.func @_mm_scale_body(%arg0: i32, %arg1: memref<2x2560x16xf32, #tpu.memory_space<vmem>>, %arg2: memref<2560x128xf32, #tpu.memory_space<vmem>>, %arg3: memref<40x128xf32, #tpu.memory_space<vmem>>, %arg4: memref<2560x40xf32, #tpu.memory_space<vmem>>) attributes {dimension_semantics = [#tpu.dimension_semantics<arbitrary>], iteration_bounds = array<i64: 4>, scalar_prefetch = 0 : i64, scratch_operands = 0 : i64, tpu.core_type = #tpu.core_type<tc>, window_params = [{transform_indices = @transform_0, window_bounds = array<i64: 2, 2560, 16>}, {transform_indices = @transform_1, window_bounds = array<i64: 2560, 128>}, {pipeline_mode = #tpu.pipeline_mode<synchronous>, transform_indices = @transform_2, window_bounds = array<i64: 40, 128>}, {transform_indices = @transform_3, window_bounds = array<i64: 2560, 40>}]} {
    %get3A = arith.constant 0 : index
    %get3A_0 = arith.constant 0 : index
    %get3A_1 = vector.load %arg2[%get3A, %get3A_0] : memref<2560x128xf32, #tpu.memory_space<vmem>>, vector<2560x128xf32>
    %get3A_2 = arith.constant 0 : index
    %get3A_3 = arith.constant 0 : index
    %get3A_4 = vector.load %arg3[%get3A_2, %get3A_3] : memref<40x128xf32, #tpu.memory_space<vmem>>, vector<40x128xf32>
    %dot_general3A = arith.constant dense<0.000000e+00> : vector<2560x40xf32>
    %dot_general3A_5 = tpu.matmul %get3A_1, %get3A_4, %dot_general3A {dimension_numbers = #tpu.dot_dimension_numbers<[1], [1], [0], [0], [0, 0, 1, 0], [], []>, transpose_lhs_hint = false} : vector<2560x128xf32>, vector<40x128xf32>, vector<2560x40xf32> -> vector<2560x40xf32>
    %get3A_6 = arith.constant 0 : index
    %get3A_7 = arith.constant 0 : index
    %get3A_8 = arith.constant 0 : index
    %get3A_9 = vector.load %arg1[%get3A_6, %get3A_7, %get3A_8] : memref<2x2560x16xf32, #tpu.memory_space<vmem>>, vector<1x2560x1xf32>
    %get3A_10 = vector.shape_cast %get3A_9 : vector<1x2560x1xf32> to vector<2560x1xf32>
    %get3A_11 = arith.constant 1 : index
    %get3A_12 = arith.constant 0 : index
    %get3A_13 = arith.constant 0 : index
    %get3A_14 = vector.load %arg1[%get3A_11, %get3A_12, %get3A_13] : memref<2x2560x16xf32, #tpu.memory_space<vmem>>, vector<1x2560x1xf32>
    %get3A_15 = vector.shape_cast %get3A_14 : vector<1x2560x1xf32> to vector<2560x1xf32>
    %add3A = arith.addf %get3A_10, %get3A_15 : vector<2560x1xf32>
    %max3A = arith.constant 1.000000e+00 : f32
    %max3A_16 = vector.broadcast %max3A : f32 to vector<2560x1xf32>
    %max3A_17 = arith.maximumf %add3A, %max3A_16 : vector<2560x1xf32>
    %rsqrt3A = math.rsqrt %max3A_17 : vector<2560x1xf32>
    %mul3A = vector.broadcast %rsqrt3A : vector<2560x1xf32> to vector<2560x40xf32>
    %mul3A_18 = arith.mulf %dot_general3A_5, %mul3A : vector<2560x40xf32>
    %swap3A = arith.constant 0 : index
    %swap3A_19 = arith.constant 0 : index
    %swap3A_20 = vector.load %arg4[%swap3A, %swap3A_19] : memref<2560x40xf32, #tpu.memory_space<vmem>>, vector<2560x40xf32>
    tpu.vector_store %arg4[%swap3A, %swap3A_19], %mul3A_18 {strides = array<i32>} : memref<2560x40xf32, #tpu.memory_space<vmem>>, vector<2560x40xf32>,
    return
  }
  func.func @transform_0(%arg0: i32) -> (i32, i32, i32) {
    %c0_i32 = arith.constant 0 : i32
    %c0_i32_0 = arith.constant 0 : i32
    %c0_i32_1 = arith.constant 0 : i32
    return %c0_i32, %arg0, %c0_i32_0 : i32, i32, i32
  }
  func.func @transform_1(%arg0: i32) -> (i32, i32) {
    %c0_i32 = arith.constant 0 : i32
    %c0_i32_0 = arith.constant 0 : i32
    return %arg0, %c0_i32 : i32, i32
  }
  func.func @transform_2(%arg0: i32) -> (i32, i32) {
    %c0_i32 = arith.constant 0 : i32
    %c0_i32_0 = arith.constant 0 : i32
    %c0_i32_1 = arith.constant 0 : i32
    return %c0_i32, %c0_i32_0 : i32, i32
  }
  func.func @transform_3(%arg0: i32) -> (i32, i32) {
    %c0_i32 = arith.constant 0 : i32
    %c0_i32_0 = arith.constant 0 : i32
    return %arg0, %c0_i32 : i32, i32
  }
}

module attributes {stable_mosaic.version = 14 : i64} {
  func.func @_scale_mid_body(%arg0: i32, %arg1: memref<2x2560x16xf32, #tpu.memory_space<vmem>>, %arg2: memref<2x2560x40xf32, #tpu.memory_space<vmem>>, %arg3: memref<2560x40xf32, #tpu.memory_space<vmem>>) attributes {dimension_semantics = [#tpu.dimension_semantics<arbitrary>], iteration_bounds = array<i64: 4>, scalar_prefetch = 0 : i64, scratch_operands = 0 : i64, tpu.core_type = #tpu.core_type<tc>, window_params = [{transform_indices = @transform_0, window_bounds = array<i64: 2, 2560, 16>}, {transform_indices = @transform_1, window_bounds = array<i64: 2, 2560, 40>}, {transform_indices = @transform_2, window_bounds = array<i64: 2560, 40>}]} {
    %get3A = arith.constant 0 : index
    %get3A_0 = arith.constant 0 : index
    %get3A_1 = arith.constant 0 : index
    %get3A_2 = vector.load %arg2[%get3A, %get3A_0, %get3A_1] : memref<2x2560x40xf32, #tpu.memory_space<vmem>>, vector<1x2560x40xf32>
    %get3A_3 = vector.shape_cast %get3A_2 : vector<1x2560x40xf32> to vector<2560x40xf32>
    %get3A_4 = arith.constant 1 : index
    %get3A_5 = arith.constant 0 : index
    %get3A_6 = arith.constant 0 : index
    %get3A_7 = vector.load %arg2[%get3A_4, %get3A_5, %get3A_6] : memref<2x2560x40xf32, #tpu.memory_space<vmem>>, vector<1x2560x40xf32>
    %get3A_8 = vector.shape_cast %get3A_7 : vector<1x2560x40xf32> to vector<2560x40xf32>
    %add3A = arith.addf %get3A_3, %get3A_8 : vector<2560x40xf32>
    %get3A_9 = arith.constant 0 : index
    %get3A_10 = arith.constant 0 : index
    %get3A_11 = arith.constant 0 : index
    %get3A_12 = vector.load %arg1[%get3A_9, %get3A_10, %get3A_11] : memref<2x2560x16xf32, #tpu.memory_space<vmem>>, vector<1x2560x1xf32>
    %get3A_13 = vector.shape_cast %get3A_12 : vector<1x2560x1xf32> to vector<2560x1xf32>
    %get3A_14 = arith.constant 1 : index
    %get3A_15 = arith.constant 0 : index
    %get3A_16 = arith.constant 0 : index
    %get3A_17 = vector.load %arg1[%get3A_14, %get3A_15, %get3A_16] : memref<2x2560x16xf32, #tpu.memory_space<vmem>>, vector<1x2560x1xf32>
    %get3A_18 = vector.shape_cast %get3A_17 : vector<1x2560x1xf32> to vector<2560x1xf32>
    %add3A_19 = arith.addf %get3A_13, %get3A_18 : vector<2560x1xf32>
    %max3A = arith.constant 1.000000e+00 : f32
    %max3A_20 = vector.broadcast %max3A : f32 to vector<2560x1xf32>
    %max3A_21 = arith.maximumf %add3A_19, %max3A_20 : vector<2560x1xf32>
    %div3A = vector.broadcast %max3A_21 : vector<2560x1xf32> to vector<2560x40xf32>
    %div3A_22 = arith.divf %add3A, %div3A : vector<2560x40xf32>
    %swap3A = arith.constant 0 : index
    %swap3A_23 = arith.constant 0 : index
    %swap3A_24 = vector.load %arg3[%swap3A, %swap3A_23] : memref<2560x40xf32, #tpu.memory_space<vmem>>, vector<2560x40xf32>
    tpu.vector_store %arg3[%swap3A, %swap3A_23], %div3A_22 {strides = array<i32>} : memref<2560x40xf32, #tpu.memory_space<vmem>>, vector<2560x40xf32>,
    return
  }
  func.func @transform_0(%arg0: i32) -> (i32, i32, i32) {
    %c0_i32 = arith.constant 0 : i32
    %c0_i32_0 = arith.constant 0 : i32
    %c0_i32_1 = arith.constant 0 : i32
    return %c0_i32, %arg0, %c0_i32_0 : i32, i32, i32
  }
  func.func @transform_1(%arg0: i32) -> (i32, i32, i32) {
    %c0_i32 = arith.constant 0 : i32
    %c0_i32_0 = arith.constant 0 : i32
    %c0_i32_1 = arith.constant 0 : i32
    return %c0_i32, %arg0, %c0_i32_0 : i32, i32, i32
  }
  func.func @transform_2(%arg0: i32) -> (i32, i32) {
    %c0_i32 = arith.constant 0 : i32
    %c0_i32_0 = arith.constant 0 : i32
    return %arg0, %c0_i32 : i32, i32
  }
}

module attributes {stable_mosaic.version = 14 : i64} {
  func.func @_scale_out_body(%arg0: i32, %arg1: memref<2x2560x16xf32, #tpu.memory_space<vmem>>, %arg2: memref<2x2560x40xf32, #tpu.memory_space<vmem>>, %arg3: memref<1x40xf32, #tpu.memory_space<vmem>>, %arg4: memref<2560x40xf32, #tpu.memory_space<vmem>>) attributes {dimension_semantics = [#tpu.dimension_semantics<arbitrary>], iteration_bounds = array<i64: 4>, scalar_prefetch = 0 : i64, scratch_operands = 0 : i64, tpu.core_type = #tpu.core_type<tc>, window_params = [{transform_indices = @transform_0, window_bounds = array<i64: 2, 2560, 16>}, {transform_indices = @transform_1, window_bounds = array<i64: 2, 2560, 40>}, {pipeline_mode = #tpu.pipeline_mode<synchronous>, transform_indices = @transform_2, window_bounds = array<i64: 1, 40>}, {transform_indices = @transform_3, window_bounds = array<i64: 2560, 40>}]} {
    %get3A = arith.constant 0 : index
    %get3A_0 = arith.constant 0 : index
    %get3A_1 = arith.constant 0 : index
    %get3A_2 = vector.load %arg2[%get3A, %get3A_0, %get3A_1] : memref<2x2560x40xf32, #tpu.memory_space<vmem>>, vector<1x2560x40xf32>
    %get3A_3 = vector.shape_cast %get3A_2 : vector<1x2560x40xf32> to vector<2560x40xf32>
    %get3A_4 = arith.constant 1 : index
    %get3A_5 = arith.constant 0 : index
    %get3A_6 = arith.constant 0 : index
    %get3A_7 = vector.load %arg2[%get3A_4, %get3A_5, %get3A_6] : memref<2x2560x40xf32, #tpu.memory_space<vmem>>, vector<1x2560x40xf32>
    %get3A_8 = vector.shape_cast %get3A_7 : vector<1x2560x40xf32> to vector<2560x40xf32>
    %add3A = arith.addf %get3A_3, %get3A_8 : vector<2560x40xf32>
    %get3A_9 = arith.constant 0 : index
    %get3A_10 = arith.constant 0 : index
    %get3A_11 = arith.constant 0 : index
    %get3A_12 = vector.load %arg1[%get3A_9, %get3A_10, %get3A_11] : memref<2x2560x16xf32, #tpu.memory_space<vmem>>, vector<1x2560x1xf32>
    %get3A_13 = vector.shape_cast %get3A_12 : vector<1x2560x1xf32> to vector<2560x1xf32>
    %get3A_14 = arith.constant 1 : index
    %get3A_15 = arith.constant 0 : index
    %get3A_16 = arith.constant 0 : index
    %get3A_17 = vector.load %arg1[%get3A_14, %get3A_15, %get3A_16] : memref<2x2560x16xf32, #tpu.memory_space<vmem>>, vector<1x2560x1xf32>
    %get3A_18 = vector.shape_cast %get3A_17 : vector<1x2560x1xf32> to vector<2560x1xf32>
    %add3A_19 = arith.addf %get3A_13, %get3A_18 : vector<2560x1xf32>
    %max3A = arith.constant 1.000000e+00 : f32
    %max3A_20 = vector.broadcast %max3A : f32 to vector<2560x1xf32>
    %max3A_21 = arith.maximumf %add3A_19, %max3A_20 : vector<2560x1xf32>
    %rsqrt3A = math.rsqrt %max3A_21 : vector<2560x1xf32>
    %mul3A = vector.broadcast %rsqrt3A : vector<2560x1xf32> to vector<2560x40xf32>
    %mul3A_22 = arith.mulf %add3A, %mul3A : vector<2560x40xf32>
    %get3A_23 = arith.constant 0 : index
    %get3A_24 = arith.constant 0 : index
    %get3A_25 = vector.load %arg3[%get3A_23, %get3A_24] : memref<1x40xf32, #tpu.memory_space<vmem>>, vector<1x40xf32>
    %add3A_26 = vector.broadcast %get3A_25 : vector<1x40xf32> to vector<2560x40xf32>
    %add3A_27 = arith.addf %mul3A_22, %add3A_26 : vector<2560x40xf32>
    %swap3A = arith.constant 0 : index
    %swap3A_28 = arith.constant 0 : index
    %swap3A_29 = vector.load %arg4[%swap3A, %swap3A_28] : memref<2560x40xf32, #tpu.memory_space<vmem>>, vector<2560x40xf32>
    tpu.vector_store %arg4[%swap3A, %swap3A_28], %add3A_27 {strides = array<i32>} : memref<2560x40xf32, #tpu.memory_space<vmem>>, vector<2560x40xf32>,
    return
  }
  func.func @transform_0(%arg0: i32) -> (i32, i32, i32) {
    %c0_i32 = arith.constant 0 : i32
    %c0_i32_0 = arith.constant 0 : i32
    %c0_i32_1 = arith.constant 0 : i32
    return %c0_i32, %arg0, %c0_i32_0 : i32, i32, i32
  }
  func.func @transform_1(%arg0: i32) -> (i32, i32, i32) {
    %c0_i32 = arith.constant 0 : i32
    %c0_i32_0 = arith.constant 0 : i32
    %c0_i32_1 = arith.constant 0 : i32
    return %c0_i32, %arg0, %c0_i32_0 : i32, i32, i32
  }
  func.func @transform_2(%arg0: i32) -> (i32, i32) {
    %c0_i32 = arith.constant 0 : i32
    %c0_i32_0 = arith.constant 0 : i32
    %c0_i32_1 = arith.constant 0 : i32
    return %c0_i32, %c0_i32_0 : i32, i32
  }
  func.func @transform_3(%arg0: i32) -> (i32, i32) {
    %c0_i32 = arith.constant 0 : i32
    %c0_i32_0 = arith.constant 0 : i32
    return %arg0, %c0_i32 : i32, i32
  }
}

</mosaic_0001>

<sc_bundles>
// kernel: kernel.11.cloned.1.call-start
scs
__scs_entry_jumppad:
0x0: {  	(pc) =	sbr.rel $0x88, $3  }
0x1: {  	(tag) =	ssettag $0x0;
	lr =	simm.s32 $0x1  }
0x2: {  	[smem:$0x3F9D] =	sst lr;
	_ =	strace $0xD0000000  }
0x3: {  	_ = 	snop  }
0x4: {  	_ = 	snop  }
0x5: {  	_ = 	snop  }
0x6: {  	_ = 	snop  }
0x7: {  	_ = 	snop  }
__scs_overlays_trampoline_lowered:
0x8: {  	[smem:$0x3FAC] =	sst s0  }
0x9: {  	[smem:$0x3FAD] =	sst s1  }
0xa: {  	[smem:$0x3FAE] =	sst s2  }
0xb: {  	[smem:$0x3FAF] =	sst s3  }
0xc: {  	[smem:$0x3FB0] =	sst s4  }
0xd: {  	[smem:$0x3FB1] =	sst s5  }
0xe: {  	[smem:$0x3FB2] =	sst s6  }
0xf: {  	[smem:$0x3FB3] =	sst s7  }
0x10: {  	[smem:$0x3FB4] =	sst s8  }
0x11: {  	[smem:$0x3FB5] =	sst s9;
	s0 =	simm.s32 @!p0 $0x0  }
0x12: {  	s1 =	sld [smem:$0x3F9B];
	s0 =	simm.s32 @p0 $0x1  }
0x13: {  	[smem:$0x3FB6] =	sst s0;
	s0 =	simm.s32 @!p1 $0x0  }
0x14: {  	s2 =	sld [smem:$0x3F9A];
	s0 =	simm.s32 @p1 $0x1  }
0x15: {  	[smem:$0x3FB7] =	sst s0;
	s0 =	simm.s32 @!p2 $0x0  }
0x16: {  	s3 =	sld [smem:$0x3FDB];
	s0 =	simm.s32 @p2 $0x1  }
0x17: {  	s4 =	simm.s32 $0x1BF5;
	[smem:$0x3FB9] =	sst s0  }
0x18: {  	s0 =	sld [smem:$0x3F9C];
	_ =	swait.ge [sflag:s4], $0x0  }
0x19: {  	s7 =	sld [smem:$0x3F9D]  }
0x1a: {  	s8 =	sadd.s32 $0xFFFFE003, lr  }
0x1b: {  	s9 =	sadd.s32 $0xFFFFFEF7, lr;
	s5 =	simm.s32 $0xFFFFFFFF;
	p2 =	slt.u32 s8, $0xFFFFF086  }
0x1c: {  	p1 =	slt.u32 s9, $0xF7A;
	s5 =	simm.s32 @!p2 $0x0  }
0x1d: {  	s5 =	simm.s32 @p1 $0x1;
	p0 =	seq.s32 s7, s2  }
0x1e: {  	s7 =	smul.u32 @!p0 $0xF7A, s2;
	p2 =	seq.s32 @!p0 s5, $0x0  }
0x1f: {  	s9 =	smul.u32 $0xF7A, s1;
	s8 =	simm.s32 @!p0 $0x1BF5;
	p2 =	por !p2, p0  }
0x20: {  	[sflag:s8] =	ssyncset.s32 @!p0 $0xFFFFF086;
	s6 =	sadd.s32 @!p0 s3, s7;
	s7 =	simm.s32 @!p0 $0x108  }
0x21: {  	s3 =	sadd.s32 s3, s9;
	s6 =	sadd.s32 @!p0 $0x88, s6;
	s7 =	simm.s32 @p2 $0x1082  }
0x22: {  	[simem:s7], [sflag:s8] =	dma.local @!p0 [hbm:s6], $0xF7A  }
0x23: {  	s9 =	sor.u32 $0xD0000000, s2;
	s6 =	simm.s32 $0x108;
	_ =	swait.ge @!p0 [sflag:s8], $0x0  }
0x24: {  	s3 =	sadd.s32 $0x88, s3;
	s6 =	simm.s32 @!p1 $0x1082;
	[sflag:s4] =	ssyncset.s32 $0xFFFFF086  }
0x25: {  	[simem:s6], [sflag:s4] =	dma.local [hbm:s3], $0xF7A  }
0x26: {  	[smem:$0x3F9D] =	sst s1;
	(tag) =	ssettag s2;
	_ =	strace s9  }
0x27: {  	s1 =	sld [smem:$0x3FAD]  }
0x28: {  	s2 =	sld [smem:$0x3FAE]  }
0x29: {  	s4 =	sld [smem:$0x3FB0]  }
0x2a: {  	p0 =	seq.s32 s5, $0x0;
	s5 =	sld [smem:$0x3FB1]  }
0x2b: {  	s6 =	sld [smem:$0x3FB2]  }
0x2c: {  	s7 =	sld [smem:$0x3FB3]  }
0x2d: {  	s3 =	simm.s32 $0x108;
	s8 =	sld [smem:$0x3FB4]  }
0x2e: {  	s3 =	simm.s32 @!p0 $0x1082;
	s9 =	sld [smem:$0x3FB5]  }
0x2f: {  	lr =	sadd.s32 s0, s3;
	s0 =	sld [smem:$0x3FAC]  }
0x30: {  	s3 =	sld [smem:$0x3FAF]  }
0x31: {  	[smem:$0x3FB8] =	sst s10  }
0x32: {  	s10 =	sld [smem:$0x3FB6];
	_ =	sdelay $0x3  }
0x33: {  	p0 =	seq.s32 s10, $0x1;
	s10 =	sld [smem:$0x3FB8];
	_ =	sdelay $0x3  }
0x34: {  	[smem:$0x3FB8] =	sst s10  }
0x35: {  	s10 =	sld [smem:$0x3FB7];
	_ =	sdelay $0x3  }
0x36: {  	p1 =	seq.s32 s10, $0x1;
	s10 =	sld [smem:$0x3FB8];
	_ =	sdelay $0x3  }
0x37: {  	[smem:$0x3FB8] =	sst s10  }
0x38: {  	s10 =	sld [smem:$0x3FB9]  }
0x39: {  	_ = 	snop;
	(pc) =	sbr.ind lr, $3  }
0x3a: {  	_ = 	snop  }
0x3b: {  	_ = 	snop  }
0x3c: {  	p2 =	seq.s32 s10, $0x1;
	s10 =	sld [smem:$0x3FB8]  }
0x3d: {  	_ =	shalt  }
0x3e: {  	_ =	shalt  }
0x3f: {  	_ =	shalt  }
0x40: {  	_ =	shalt  }
0x41: {  	_ =	shalt  }
0x42: {  	_ =	shalt  }
0x43: {  	_ =	shalt  }
0x44: {  	_ =	shalt  }
0x45: {  	_ =	shalt  }
0x46: {  	_ =	shalt  }
0x47: {  	_ =	shalt  }
0x48: {  	_ =	shalt  }
0x49: {  	_ =	shalt  }
0x4a: {  	_ =	shalt  }
0x4b: {  	_ =	shalt  }
0x4c: {  	_ =	shalt  }
0x4d: {  	_ =	shalt  }
0x4e: {  	_ =	shalt  }
0x4f: {  	_ =	shalt  }
0x50: {  	_ =	shalt  }
0x51: {  	_ =	shalt  }
0x52: {  	_ =	shalt  }
0x53: {  	_ =	shalt  }
0x54: {  	_ =	shalt  }
0x55: {  	_ =	shalt  }
0x56: {  	_ =	shalt  }
0x57: {  	_ =	shalt  }
0x58: {  	_ =	shalt  }
0x59: {  	_ =	shalt  }
0x5a: {  	_ =	shalt  }
0x5b: {  	_ =	shalt  }
0x5c: {  	_ =	shalt  }
0x5d: {  	_ =	shalt  }
0x5e: {  	_ =	shalt  }
0x5f: {  	_ =	shalt  }
0x60: {  	_ =	shalt  }
0x61: {  	_ =	shalt  }
0x62: {  	_ =	shalt  }
0x63: {  	_ =	shalt  }
0x64: {  	_ =	shalt  }
0x65: {  	_ =	shalt  }
0x66: {  	_ =	shalt  }
0x67: {  	_ =	shalt  }
0x68: {  	_ =	shalt  }
0x69: {  	_ =	shalt  }
0x6a: {  	_ =	shalt  }
0x6b: {  	_ =	shalt  }
0x6c: {  	_ =	shalt  }
0x6d: {  	_ =	shalt  }
0x6e: {  	_ =	shalt  }
0x6f: {  	_ =	shalt  }
0x70: {  	_ =	shalt  }
0x71: {  	_ =	shalt  }
0x72: {  	_ =	shalt  }
0x73: {  	_ =	shalt  }
0x74: {  	_ =	shalt  }
0x75: {  	_ =	shalt  }
0x76: {  	_ =	shalt  }
0x77: {  	_ =	shalt  }
0x78: {  	_ =	shalt  }
0x79: {  	_ =	shalt  }
0x7a: {  	_ =	shalt  }
0x7b: {  	_ =	shalt  }
0x7c: {  	_ =	shalt  }
0x7d: {  	_ =	shalt  }
0x7e: {  	_ =	shalt  }
0x7f: {  	_ =	shalt  }
0x80: {  	_ =	shalt  }
0x81: {  	_ =	shalt  }
0x82: {  	_ =	shalt  }
0x83: {  	_ =	shalt  }
0x84: {  	_ =	shalt  }
0x85: {  	_ =	shalt  }
0x86: {  	_ =	shalt  }
0x87: {  	_ =	shalt  }
.Lfunc_end0:
.L_simem_size_0:
called_computation.1_lowered:
.L_overlay_start_0:
0x88: {  	s2 =	sld [smem:$0x3FD9]  }
0x89: {  	s3 =	sld [smem:$0x3FFE];
	_ =	sdelay $0x1  }
0x8a: {  	s1 =	srdreg.scid  }
0x8b: {  	s0 =	sand.u32 $0x1, s1  }
0x8c: {  	s17 =	sshll.u32 s0, $0xA;
	s2 =	sadd.s32 s3, s2  }
0x8d: {  	s2 =	sadd.s32 s2, s17  }
0x8e: {  	[smem:$0x3FC4] =	sst s2  }
0x8f: {  	_ = 	snop  }
0x90: {  	s2 =	sld [smem:$0x3FD0];
	(tm) =	ssettm $0x1  }
0x91: {  	s18 =	sld [smem:$0x3FFB];
	_ =	sdelay $0x3  }
0x92: {  	_ =	strace s18  }
0x93: {  	s3 =	sld [smem:$0x3FFC];
	_ =	sdelay $0x3  }
0x94: {  	_ =	strace s3  }
0x95: {  	s3 =	sld [smem:$0x3FFD];
	_ =	sdelay $0x3  }
0x96: {  	_ =	strace s3  }
0x97: {  	_ =	strace $0x8FFFFFFF  }
0x98: {  	s19 =	sld [smem:$0x3FDB];
	_ =	sdelay $0x1  }
0x99: {  	s4 =	simm.s32 $_scs_section_size  }
0x9a: {  	s5 =	simm.s32 $_size__tile_overlayer_lowered;
	s6 =	simm.s32 $_tile_overlayer_lowered  }
0x9b: {  	s22 =	simm.s32 $0x1BFF;
	s21 =	sshll.u32 s6, $0x1;
	s3 =	sadd.s32 s4, s19  }
0x9c: {  	s7 =	simm.s32 $0x0;
	s20 =	sshll.u32 s5, $0x1;
	s5 =	sadd.s32 s21, s3  }
0x9d: {  	[timem:s7], [sflag:s22] =	dma.local [hbm:s5], s20  }
0x9e: {  	_ =	swait.ge [sflag:s22], s20  }
0x9f: {  	s4 =	ssub.s32 $0x0, s20;
	[sflag:s22] =	ssyncset.done $0x0  }
0xa0: {  	[sflag:s22] =	ssyncadd.s32 s4;
	_ =	sdelay $0x1  }
0xa1: {  	s23 =	simm.s32 $0x1B8B  }
0xa2: {  	_ =	swait.ge [sflag:s23], $0x1  }
0xa3: {  	[sflag:s23] =	ssyncset.done $0x0  }
0xa4: {  	s25 =	simm.s32 $0x1B8E;
	s24 =	sld [smem:$0x3FFE];
	[sflag:s23] =	ssyncadd.s32 $0xFFFFFFFF  }
0xa5: {  	s26 =	simm.s32 $execute0_lowered;
	[smem:$0x3FD2] =	sst s25  }
0xa6: {  	s5 =	sshll.u32 s26, $0x1;
	_ =	strace $0x80000049;
	[dreg:$0x1] =	wrdreg $0xFFFFFFFF  }
0xa7: {  	s28 =	simm.s32 $_size_execute0_lowered;
	s3 =	sadd.s32 s3, s5;
	[dreg:$0x0] =	wrdreg $0x0  }
0xa8: {  	s5 =	sshll.u32 s28, $0x1;
	[dreg:$0x2] =	wrdreg s3  }
0xa9: {  	[dreg:$0x3] =	wrdreg s5  }
0xaa: {  	[dreg:$0x4] =	wrdreg $0xC0  }
0xab: {  	_ =	task [dreg:s7], $0x5FFFF  }
0xac: {  	[dreg:$0x1] =	wrdreg $0xFFFFFFFF  }
0xad: {  	[dreg:$0x0] =	wrdreg $0x60  }
0xae: {  	[dreg:$0x2] =	wrdreg s24  }
0xaf: {  	[dreg:$0x3] =	wrdreg s2  }
0xb0: {  	[dreg:$0x4] =	wrdreg $0x0  }
0xb1: {  	[dreg:$0x5] =	wrdreg $0x62200  }
0xb2: {  	[dreg:$0x6] =	wrdreg $0x9  }
0xb3: {  	_ =	task.clear_ibuf [dreg:s7], $0x7FFFF;
	_ =	strace $0x90000049  }
0xb4: {  	s29 =	simm.s32 $0x9;
	_ =	strace $0x8000004B  }
0xb5: {  	_ =	swait.ge [sflag:s29], $0x1  }
0xb6: {  	[sflag:s29] =	ssyncadd.s32 $0xFFFFFFFF  }
0xb7: {  	_ =	strace $0x9000004B  }
0xb8: {  	_ =	sfence  }
0xb9: {  	s30 =	sld [smem:$0x0];
	_ =	sdelay $0x2  }
0xba: {  	s31 =	sshll.u32 s1, $0xD;
	s1 =	sshrl.u32 s1, $0x2  }
0xbb: {  	s3 =	sand.u32 $0x4000, s31;
	s1 =	sadd.s32 s1, s30  }
0xbc: {  	s0 =	sor.u32 s3, s0;
	s1 =	sshll.u32 s1, $0x11  }
0xbd: {  	s0 =	sor.u32 s1, s0  }
0xbe: {  	s0 =	sadd.s32 $0x8F2B, s0  }
0xbf: {  	[sflag:s0] =	ssyncadd.remote.s32 $0x1  }
0xc0: {  	_ =	sfence.sel $0xFFFF  }
0xc1: {  	[dreg:$0x0] =	wrdreg $0xFFFFFFFF;
	(pc) =	sbr.abs _section_cstart, $3  }
0xc2: {  	[dreg:$0x1] =	wrdreg $0xFFFFFFFF  }
0xc3: {  	_ =	task.clear_ibuf [dreg:s7], $0x2FFFF;
	_ =	strace $0x9FFFFFFF  }
0xc4: {  	(tm) =	ssettm $0x7FFFFFFF  }
0xc5: {  	_ =	shalt  }
tec
execute0_lowered:
.L_overlay_start_1:
0x0: {  	(tag) =	ssettag $0x1  }
0x1: {  	s0 =	rddreg [dreg:$0x0]  }
0x2: {  	s3 =	rddreg [dreg:$0x2]  }
0x3: {  	s4 =	rddreg [dreg:$0x3];
	s11 =	stileid.u32  }
0x4: {  	s5 =	simm.s32 $0x0;
	s2 =	srdreg.scid;
	s13 =	simm.s32 $0x3  }
0x5: {  	s15 =	simm.s32 $0xC440;
	s16 =	simm.s32 $0xEBC0;
	s17 =	simm.s32 $0x80  }
0x6: {  	s18 =	simm.s32 $0x11340;
	s20 =	simm.s32 $0x12740;
	s28 =	simm.s32 $0x1  }
0x7: {  	s31 =	simm.s32 $0xEC40;
	s19 =	simm.s32 $0x0;
	s1 =	smul.u32 $0x6220, s11  }
0x8: {  	s2 =	sand.u32 $0x1, s2;
	s6 =	sshll.u32 s11, $0x1;
	s7 =	smul.u32 $0xC44, s11  }
0x9: {  	[smem:$0x7FF] =	sst s5;
	s30 =	sshll.u32 s11, $0x6;
	s6 =	sor.u32 s2, s6  }
0xa: {  	s8 =	smul.u32 $0xC800, s2;
	_ =	strace $0x8000004A;
	s2 =	ssub.s32 $0x2, s2  }
0xb: {  	s9 =	sshrl.u32 s1, $0x3;
	s6 =	smul.u32 $0x4F0, s6;
	s29 =	sshrl.u32 s2, $0x1  }
0xc: {  	s12 =	sadd.s32 s1, s3;
	s1 =	sadd.s32 s1, s4;
	s9 =	sadd.s32 s9, s0  }
0xd: {  	s7 =	sadd.s32 s7, s8;
	s2 =	ssub.s32 s2, s29;
	s12 =	sshrl.u32 s12, $0x3  }
0xe: {  	s14 =	sshrl.u32 s1, $0x3;
	s1 =	simm.s32 $0x18B40;
	s10 =	sadd.s32 s6, s0  }
0xf: {  	s0 =	sadd.s32 s7, s0;
	s6 =	sadd.s32 $0x15400, s9;
	s7 =	sor.u32 $0x1C03, s30  }
0x10: {  	s11 =	smax.u32 s2, $0x1;
	s2 =	simm.s32 $0x2;
	s8 =	sadd.s32 $0xB600, s10  }
0x11: {  	s9 =	sadd.s32 $0x1000, s10;
	s10 =	sadd.s32 $0x21C00, s0;
	s0 =	simm.s32 $0xC740  }
.LBB2_1:
0x12: {  	[spmem:s12], [sflag:s7] =	dma.local [hbm:s6], $0xC44  }
0x13: {  	_ =	swait.ge [sflag:s13], $0xC44  }
0x14: {  	[sflag:s13] =	ssyncset.done $0x0  }
0x15: {  	[sflag:s13] =	ssyncadd.s32 $0xFFFFF3BC  }
0x16: {  	s21 =	rddreg [dreg:$0x1]  }
0x17: {  	[spmem:s14], [sflag:s7] =	dma.local [hbm:s21], $0xC44  }
0x18: {  	_ =	swait.ge [sflag:s13], $0xC44  }
0x19: {  	[sflag:s13] =	ssyncset.done $0x0  }
0x1a: {  	[sflag:s13] =	ssyncadd.s32 $0xFFFFF3BC  }
0x1b: {  	[tilespmem:s15], [sflag:$0x3] =	stream.linear.gather [hbm4b:s8+s5], $0x2780, $0x38;
	[tilespmem:$0x1B340] =	vst v63  }
0x1c: {  	_ =	swait.ge [sflag:s13], $0x2780  }
0x1d: {  	[sflag:s13] =	ssyncset.done $0x0  }
0x1e: {  	[sflag:s13] =	ssyncadd.s32 $0xFFFFD880  }
0x1f: {  	[tilespmem:s16], [sflag:$0x3] =	stream.linear.gather [hbm4b:s9+s5], $0x2780, $0x38;
	[tilespmem:$0x1B340] =	vst v63  }
0x20: {  	_ =	swait.ge [sflag:s13], $0x2780  }
0x21: {  	[sflag:s13] =	ssyncset.done $0x0  }
0x22: {  	[sflag:s13] =	ssyncadd.s32 $0xFFFFD880  }
0x23: {  	[bflag:$0x0] =	sbarrier.arrive $0xFFFF  }
0x24: {  	[tilespmem:s18], [sflag:$0x1] =	stream.indirect.gather [spmem:s3], $0x28, s15, s17, $0xb8;
	[tilespmem:$0x1B340] =	vst v63  }
0x25: {  	s29 =	simm.s32 $0xC4C0  }
0x26: {  	[tilespmem:s20], [sflag:$0x1] =	stream.indirect.gather [spmem:s3], $0x28, s29, s17, $0xb8;
	[tilespmem:$0x1B340] =	vst v63  }
0x27: {  	s30 =	simm.s32 $0xC540;
	s22 =	simm.s32 $0x13B40  }
0x28: {  	[tilespmem:s22], [sflag:$0x1] =	stream.indirect.gather [spmem:s3], $0x28, s30, s17, $0xb8;
	[tilespmem:$0x1B340] =	vst v63  }
0x29: {  	s23 =	simm.s32 $0x14F40;
	s22 =	simm.s32 $0xC5C0  }
0x2a: {  	[tilespmem:s23], [sflag:$0x1] =	stream.indirect.gather [spmem:s3], $0x28, s22, s17, $0xb8;
	[tilespmem:$0x1B340] =	vst v63  }
0x2b: {  	s24 =	simm.s32 $0xC640;
	s25 =	simm.s32 $0x16340  }
0x2c: {  	[tilespmem:s25], [sflag:$0x1] =	stream.indirect.gather [spmem:s3], $0x28, s24, s17, $0xb8;
	[tilespmem:$0x1B340] =	vst v63  }
0x2d: {  	_ =	swait.ge [sflag:s28], $0x1400  }
0x2e: {  	[sflag:s28] =	ssyncset.done $0x0  }
0x2f: {  	[sflag:s28] =	ssyncadd.s32 $0xFFFFEC00  }
0x30: {  	[spmem:s4] =	stream.indirect.scatter.add.f32 [tilespmem:s18], [sflag:$0x2], $0x28, s16, s17, $0xb8;
	[tilespmem:$0x1B340] =	vst v63  }
0x31: {  	s26 =	simm.s32 $0xC6C0;
	s29 =	simm.s32 $0x17740  }
0x32: {  	[tilespmem:s29], [sflag:$0x1] =	stream.indirect.gather [spmem:s3], $0x28, s26, s17, $0xb8;
	[tilespmem:$0x1B340] =	vst v63  }
0x33: {  	_ =	swait.ge [sflag:s28], $0x1400  }
0x34: {  	s30 =	simm.s32 $0x2;
	[sflag:s28] =	ssyncset.done $0x0  }
0x35: {  	s21 =	sand.u32 $0x7, s30;
	[sflag:s28] =	ssyncadd.s32 $0xFFFFEC00  }
0x36: {  	[spmem:s4] =	stream.indirect.scatter.add.f32 [tilespmem:s20], [sflag:$0x2], $0x28, s31, s17, $0xb8;
	[tilespmem:$0x1B340] =	vst v63  }
0x37: {  	p0 =	por $0x0, $0x0;
	s23 =	smul.u32 $0x5000, s21  }
0x38: {  	[tilespmem:s1], [sflag:$0x1] =	stream.indirect.gather [spmem:s3], $0x28, s0, s17, $0xb8;
	[tilespmem:$0x1B340] =	vst v63  }
0x39: {  	s22 =	simm.s32 $0x7;
	s24 =	simm.s32 $0xECC0;
	_ =	swait.ge [sflag:s28], $0x1400  }
0x3a: {  	s23 =	sshrl.u32 s23, $0x2;
	s25 =	sand.u32 @!p0 $0x7, s22;
	[sflag:s28] =	ssyncset.done $0x0  }
0x3b: {  	s23 =	sadd.s32 $0x11340, s23;
	s25 =	smul.u32 @!p0 $0x5000, s25;
	[sflag:s28] =	ssyncadd.s32 $0xFFFFEC00  }
0x3c: {  	[spmem:s4] =	stream.indirect.scatter.add.f32 [tilespmem:s23], [sflag:$0x2], $0x28, s24, s17, $0xb8;
	[tilespmem:$0x1B340] =	vst v63  }
0x3d: {  	s21 =	simm.s32 $0xC7C0;
	s22 =	simm.s32 $0x8;
	_ =	swait.ge [sflag:s2], $0x1400  }
0x3e: {  	s26 =	sshrl.u32 @!p0 s25, $0x2;
	s25 =	simm.s32 @!p0 $0x80;
	[sflag:s2] =	ssyncset.done $0x0  }
0x3f: {  	s23 =	simm.s32 $0xC840;
	s24 =	simm.s32 $0xED40;
	[sflag:s2] =	ssyncadd.s32 $0xFFFFEC00  }
.LBB2_2:
0x40: {  	s29 =	sadd.s32 $0xFFFFFFFB, s22  }
0x41: {  	s26 =	sadd.s32 @!p0 $0x11340, s26;
	s30 =	smov.u32 s22;
	s22 =	sadd.s32 $0x1, s22  }
0x42: {  	[tilespmem:s26], [sflag:$0x1] =	stream.indirect.gather @!p0 [spmem:s3], $0x28, s21, s25, $0xb8;
	[tilespmem:$0x1B340] =	vst v63  }
0x43: {  	s25 =	sand.u32 $0x7, s29;
	p1 =	sne.s32 s22, $0x54;
	s21 =	smov.u32 s23  }
0x44: {  	s25 =	smul.u32 $0x5000, s25  }
0x45: {  	p0 =	sgt.u32 s29, $0x49;
	_ =	swait.ge [sflag:s28], $0x1400  }
0x46: {  	s26 =	sand.u32 @!p0 $0x7, s30;
	s25 =	sshrl.u32 s25, $0x2;
	[sflag:s28] =	ssyncset.done $0x0  }
.Ltmp0:
0x47: {  	s25 =	sadd.s32 $0x11340, s25;
	[sflag:s28] =	ssyncadd.s32 $0xFFFFEC00;
	(pc) =	sbr.rel @p1 .LBB2_2-.Ltmp0, $4  }
0x48: {  	[spmem:s4] =	stream.indirect.scatter.add.f32 [tilespmem:s25], [sflag:$0x2], $0x28, s24, s17, $0xb8;
	[tilespmem:$0x1B340] =	vst v63  }
0x49: {  	s25 =	smul.u32 @!p0 $0x5000, s26;
	_ =	swait.ge [sflag:s2], $0x1400  }
0x4a: {  	s23 =	sadd.s32 $0x80, s23;
	s24 =	sadd.s32 $0x80, s24;
	[sflag:s2] =	ssyncset.done $0x0  }
0x4b: {  	s26 =	sshrl.u32 @!p0 s25, $0x2;
	s25 =	simm.s32 @!p0 $0x80;
	[sflag:s2] =	ssyncadd.s32 $0xFFFFEC00  }
0x4c: {  	s22 =	sadd.s32 @!p0 $0x11340, s26  }
0x4d: {  	[tilespmem:s22], [sflag:$0x1] =	stream.indirect.gather @!p0 [spmem:s3], $0x28, s21, s25, $0xb8;
	[tilespmem:$0x1B340] =	vst v63  }
0x4e: {  	_ =	swait.ge [sflag:s2], $0x1400  }
0x4f: {  	[sflag:s2] =	ssyncset.done $0x0  }
0x50: {  	[sflag:s2] =	ssyncadd.s32 $0xFFFFEC00  }
0x51: {  	_ =	swait.ge [sflag:s2], $0x1400  }
0x52: {  	s19 =	sadd.s32 $0x1, s19;
	[sflag:s2] =	ssyncset.done $0x0  }
0x53: {  	p0 =	sne.s32 s19, s11;
	[sflag:s2] =	ssyncadd.s32 $0xFFFFEC00  }
.Ltmp1:
0x54: {  	[bflag:$0x0] =	sbarrier.arrive $0xFFFF;
	(pc) =	sbr.rel @p0 .LBB2_1-.Ltmp1, $4  }
0x55: {  	[hbm:s10], [sflag:s7] =	dma.local [spmem:s14], $0xC44  }
0x56: {  	_ =	swait.ge [sflag:s13], $0xC44  }
0x57: {  	[sflag:s13] =	ssyncset.done $0x0  }
0x58: {  	[sflag:s13] =	ssyncadd.s32 $0xFFFFF3BC  }
0x59: {  	_ =	sfence.sel $0x180000  }
0x5a: {  	[bflag:$0x0] =	sbarrier.arrive $0xFFFF  }
0x5b: {  	_ =	strace $0x9000004A  }
0x5c: {  	s0 =	stileid.u32;
	[bflag:$0x2] =	sbarrier.arrive $0xFFFF  }
0x5d: {  	p0 =	sne.s32 s0, $0x0;
	s0 =	rddreg [dreg:$0x4]  }
0x5e: {  	s0 =	sadd.s32 @!p0 $0x100000, s0  }
0x5f: {  	[sflag:s0] =	ssyncadd.tile.s32 @!p0 $0x1;
	_ =	shalt  }
.Lfunc_end2:
_tile_overlayer_lowered:
.L_overlay_start_2:
0x60: {  	(tag) =	ssettag $0x2  }
0x61: {  	s0 =	rddreg [dreg:$0x0];
	s2 =	stileid.u32  }
0x62: {  	s1 =	rddreg [dreg:$0x1];
	p0 =	sne.s32 s2, $0x0  }
0x63: {  	s3 =	rddreg [dreg:$0x2];
	[bflag:$0x3] =	sbarrier.arrive $0xFFFF;
	s2 =	simm.s32 @!p0 $0x1C03  }
0x64: {  	[timem:s3], [sflag:s2] =	dma.local @!p0 [hbm:s0], s1  }
0x65: {  	s0 =	simm.s32 @!p0 $0x3  }
0x66: {  	_ =	swait.ge @!p0 [sflag:s0], s1  }
0x67: {  	s1 =	ssub.s32 @!p0 $0x0, s1;
	[sflag:s0] =	ssyncset.done @!p0 $0x0  }
0x68: {  	[sflag:s0] =	ssyncadd.s32 @!p0 s1  }
0x69: {  	[bflag:$0x3] =	sbarrier.arrive $0xFFFF  }
0x6a: {  	_ =	shalt  }

// kernel: kernel.14.cloned.1.call-start
scs
__scs_entry_jumppad:
0x0: {  	(pc) =	sbr.rel $0x88, $3  }
0x1: {  	(tag) =	ssettag $0x0;
	lr =	simm.s32 $0x1  }
0x2: {  	[smem:$0x3F9D] =	sst lr;
	_ =	strace $0xD0000000  }
0x3: {  	_ = 	snop  }
0x4: {  	_ = 	snop  }
0x5: {  	_ = 	snop  }
0x6: {  	_ = 	snop  }
0x7: {  	_ = 	snop  }
__scs_overlays_trampoline_lowered:
0x8: {  	[smem:$0x3FAC] =	sst s0  }
0x9: {  	[smem:$0x3FAD] =	sst s1  }
0xa: {  	[smem:$0x3FAE] =	sst s2  }
0xb: {  	[smem:$0x3FAF] =	sst s3  }
0xc: {  	[smem:$0x3FB0] =	sst s4  }
0xd: {  	[smem:$0x3FB1] =	sst s5  }
0xe: {  	[smem:$0x3FB2] =	sst s6  }
0xf: {  	[smem:$0x3FB3] =	sst s7  }
0x10: {  	[smem:$0x3FB4] =	sst s8  }
0x11: {  	[smem:$0x3FB5] =	sst s9;
	s0 =	simm.s32 @!p0 $0x0  }
0x12: {  	s1 =	sld [smem:$0x3F9B];
	s0 =	simm.s32 @p0 $0x1  }
0x13: {  	[smem:$0x3FB6] =	sst s0;
	s0 =	simm.s32 @!p1 $0x0  }
0x14: {  	s2 =	sld [smem:$0x3F9A];
	s0 =	simm.s32 @p1 $0x1  }
0x15: {  	[smem:$0x3FB7] =	sst s0;
	s0 =	simm.s32 @!p2 $0x0  }
0x16: {  	s3 =	sld [smem:$0x3FDB];
	s0 =	simm.s32 @p2 $0x1  }
0x17: {  	s4 =	simm.s32 $0x1BF5;
	[smem:$0x3FB9] =	sst s0  }
0x18: {  	s0 =	sld [smem:$0x3F9C];
	_ =	swait.ge [sflag:s4], $0x0  }
0x19: {  	s7 =	sld [smem:$0x3F9D]  }
0x1a: {  	s8 =	sadd.s32 $0xFFFFE003, lr  }
0x1b: {  	s9 =	sadd.s32 $0xFFFFFEF7, lr;
	s5 =	simm.s32 $0xFFFFFFFF;
	p2 =	slt.u32 s8, $0xFFFFF086  }
0x1c: {  	p1 =	slt.u32 s9, $0xF7A;
	s5 =	simm.s32 @!p2 $0x0  }
0x1d: {  	s5 =	simm.s32 @p1 $0x1;
	p0 =	seq.s32 s7, s2  }
0x1e: {  	s7 =	smul.u32 @!p0 $0xF7A, s2;
	p2 =	seq.s32 @!p0 s5, $0x0  }
0x1f: {  	s9 =	smul.u32 $0xF7A, s1;
	s8 =	simm.s32 @!p0 $0x1BF5;
	p2 =	por !p2, p0  }
0x20: {  	[sflag:s8] =	ssyncset.s32 @!p0 $0xFFFFF086;
	s6 =	sadd.s32 @!p0 s3, s7;
	s7 =	simm.s32 @!p0 $0x108  }
0x21: {  	s3 =	sadd.s32 s3, s9;
	s6 =	sadd.s32 @!p0 $0x88, s6;
	s7 =	simm.s32 @p2 $0x1082  }
0x22: {  	[simem:s7], [sflag:s8] =	dma.local @!p0 [hbm:s6], $0xF7A  }
0x23: {  	s9 =	sor.u32 $0xD0000000, s2;
	s6 =	simm.s32 $0x108;
	_ =	swait.ge @!p0 [sflag:s8], $0x0  }
0x24: {  	s3 =	sadd.s32 $0x88, s3;
	s6 =	simm.s32 @!p1 $0x1082;
	[sflag:s4] =	ssyncset.s32 $0xFFFFF086  }
0x25: {  	[simem:s6], [sflag:s4] =	dma.local [hbm:s3], $0xF7A  }
0x26: {  	[smem:$0x3F9D] =	sst s1;
	(tag) =	ssettag s2;
	_ =	strace s9  }
0x27: {  	s1 =	sld [smem:$0x3FAD]  }
0x28: {  	s2 =	sld [smem:$0x3FAE]  }
0x29: {  	s4 =	sld [smem:$0x3FB0]  }
0x2a: {  	p0 =	seq.s32 s5, $0x0;
	s5 =	sld [smem:$0x3FB1]  }
0x2b: {  	s6 =	sld [smem:$0x3FB2]  }
0x2c: {  	s7 =	sld [smem:$0x3FB3]  }
0x2d: {  	s3 =	simm.s32 $0x108;
	s8 =	sld [smem:$0x3FB4]  }
0x2e: {  	s3 =	simm.s32 @!p0 $0x1082;
	s9 =	sld [smem:$0x3FB5]  }
0x2f: {  	lr =	sadd.s32 s0, s3;
	s0 =	sld [smem:$0x3FAC]  }
0x30: {  	s3 =	sld [smem:$0x3FAF]  }
0x31: {  	[smem:$0x3FB8] =	sst s10  }
0x32: {  	s10 =	sld [smem:$0x3FB6];
	_ =	sdelay $0x3  }
0x33: {  	p0 =	seq.s32 s10, $0x1;
	s10 =	sld [smem:$0x3FB8];
	_ =	sdelay $0x3  }
0x34: {  	[smem:$0x3FB8] =	sst s10  }
0x35: {  	s10 =	sld [smem:$0x3FB7];
	_ =	sdelay $0x3  }
0x36: {  	p1 =	seq.s32 s10, $0x1;
	s10 =	sld [smem:$0x3FB8];
	_ =	sdelay $0x3  }
0x37: {  	[smem:$0x3FB8] =	sst s10  }
0x38: {  	s10 =	sld [smem:$0x3FB9]  }
0x39: {  	_ = 	snop;
	(pc) =	sbr.ind lr, $3  }
0x3a: {  	_ = 	snop  }
0x3b: {  	_ = 	snop  }
0x3c: {  	p2 =	seq.s32 s10, $0x1;
	s10 =	sld [smem:$0x3FB8]  }
0x3d: {  	_ =	shalt  }
0x3e: {  	_ =	shalt  }
0x3f: {  	_ =	shalt  }
0x40: {  	_ =	shalt  }
0x41: {  	_ =	shalt  }
0x42: {  	_ =	shalt  }
0x43: {  	_ =	shalt  }
0x44: {  	_ =	shalt  }
0x45: {  	_ =	shalt  }
0x46: {  	_ =	shalt  }
0x47: {  	_ =	shalt  }
0x48: {  	_ =	shalt  }
0x49: {  	_ =	shalt  }
0x4a: {  	_ =	shalt  }
0x4b: {  	_ =	shalt  }
0x4c: {  	_ =	shalt  }
0x4d: {  	_ =	shalt  }
0x4e: {  	_ =	shalt  }
0x4f: {  	_ =	shalt  }
0x50: {  	_ =	shalt  }
0x51: {  	_ =	shalt  }
0x52: {  	_ =	shalt  }
0x53: {  	_ =	shalt  }
0x54: {  	_ =	shalt  }
0x55: {  	_ =	shalt  }
0x56: {  	_ =	shalt  }
0x57: {  	_ =	shalt  }
0x58: {  	_ =	shalt  }
0x59: {  	_ =	shalt  }
0x5a: {  	_ =	shalt  }
0x5b: {  	_ =	shalt  }
0x5c: {  	_ =	shalt  }
0x5d: {  	_ =	shalt  }
0x5e: {  	_ =	shalt  }
0x5f: {  	_ =	shalt  }
0x60: {  	_ =	shalt  }
0x61: {  	_ =	shalt  }
0x62: {  	_ =	shalt  }
0x63: {  	_ =	shalt  }
0x64: {  	_ =	shalt  }
0x65: {  	_ =	shalt  }
0x66: {  	_ =	shalt  }
0x67: {  	_ =	shalt  }
0x68: {  	_ =	shalt  }
0x69: {  	_ =	shalt  }
0x6a: {  	_ =	shalt  }
0x6b: {  	_ =	shalt  }
0x6c: {  	_ =	shalt  }
0x6d: {  	_ =	shalt  }
0x6e: {  	_ =	shalt  }
0x6f: {  	_ =	shalt  }
0x70: {  	_ =	shalt  }
0x71: {  	_ =	shalt  }
0x72: {  	_ =	shalt  }
0x73: {  	_ =	shalt  }
0x74: {  	_ =	shalt  }
0x75: {  	_ =	shalt  }
0x76: {  	_ =	shalt  }
0x77: {  	_ =	shalt  }
0x78: {  	_ =	shalt  }
0x79: {  	_ =	shalt  }
0x7a: {  	_ =	shalt  }
0x7b: {  	_ =	shalt  }
0x7c: {  	_ =	shalt  }
0x7d: {  	_ =	shalt  }
0x7e: {  	_ =	shalt  }
0x7f: {  	_ =	shalt  }
0x80: {  	_ =	shalt  }
0x81: {  	_ =	shalt  }
0x82: {  	_ =	shalt  }
0x83: {  	_ =	shalt  }
0x84: {  	_ =	shalt  }
0x85: {  	_ =	shalt  }
0x86: {  	_ =	shalt  }
0x87: {  	_ =	shalt  }
.Lfunc_end0:
.L_simem_size_0:
called_computation.2_lowered:
.L_overlay_start_0:
0x88: {  	s2 =	sld [smem:$0x3FD9]  }
0x89: {  	s3 =	sld [smem:$0x3FFE];
	_ =	sdelay $0x1  }
0x8a: {  	s1 =	srdreg.scid  }
0x8b: {  	s0 =	sand.u32 $0x1, s1  }
0x8c: {  	s17 =	sshll.u32 s0, $0xA;
	s2 =	sadd.s32 s3, s2  }
0x8d: {  	s2 =	sadd.s32 s2, s17  }
0x8e: {  	[smem:$0x3FC4] =	sst s2  }
0x8f: {  	_ = 	snop  }
0x90: {  	s2 =	sld [smem:$0x3FD0];
	(tm) =	ssettm $0x1  }
0x91: {  	s18 =	sld [smem:$0x3FFB];
	_ =	sdelay $0x3  }
0x92: {  	_ =	strace s18  }
0x93: {  	s3 =	sld [smem:$0x3FFC];
	_ =	sdelay $0x3  }
0x94: {  	_ =	strace s3  }
0x95: {  	s3 =	sld [smem:$0x3FFD];
	_ =	sdelay $0x3  }
0x96: {  	_ =	strace s3  }
0x97: {  	_ =	strace $0x8FFFFFFF  }
0x98: {  	s19 =	sld [smem:$0x3FDB];
	_ =	sdelay $0x1  }
0x99: {  	s4 =	simm.s32 $_scs_section_size  }
0x9a: {  	s5 =	simm.s32 $_size__tile_overlayer_lowered;
	s6 =	simm.s32 $_tile_overlayer_lowered  }
0x9b: {  	s22 =	simm.s32 $0x1BFF;
	s21 =	sshll.u32 s6, $0x1;
	s3 =	sadd.s32 s4, s19  }
0x9c: {  	s7 =	simm.s32 $0x0;
	s20 =	sshll.u32 s5, $0x1;
	s5 =	sadd.s32 s21, s3  }
0x9d: {  	[timem:s7], [sflag:s22] =	dma.local [hbm:s5], s20  }
0x9e: {  	_ =	swait.ge [sflag:s22], s20  }
0x9f: {  	s4 =	ssub.s32 $0x0, s20;
	[sflag:s22] =	ssyncset.done $0x0  }
0xa0: {  	[sflag:s22] =	ssyncadd.s32 s4;
	_ =	sdelay $0x1  }
0xa1: {  	s23 =	simm.s32 $0x1B8B  }
0xa2: {  	_ =	swait.ge [sflag:s23], $0x1  }
0xa3: {  	[sflag:s23] =	ssyncset.done $0x0  }
0xa4: {  	s25 =	simm.s32 $0x1B8E;
	s24 =	sld [smem:$0x3FFE];
	[sflag:s23] =	ssyncadd.s32 $0xFFFFFFFF  }
0xa5: {  	s26 =	simm.s32 $execute0_lowered;
	[smem:$0x3FD2] =	sst s25  }
0xa6: {  	s5 =	sshll.u32 s26, $0x1;
	_ =	strace $0x8000004C;
	[dreg:$0x1] =	wrdreg $0xFFFFFFFF  }
0xa7: {  	s28 =	simm.s32 $_size_execute0_lowered;
	s3 =	sadd.s32 s3, s5;
	[dreg:$0x0] =	wrdreg $0x0  }
0xa8: {  	s5 =	sshll.u32 s28, $0x1;
	[dreg:$0x2] =	wrdreg s3  }
0xa9: {  	[dreg:$0x3] =	wrdreg s5  }
0xaa: {  	[dreg:$0x4] =	wrdreg $0xC0  }
0xab: {  	_ =	task [dreg:s7], $0x5FFFF  }
0xac: {  	[dreg:$0x1] =	wrdreg $0xFFFFFFFF  }
0xad: {  	[dreg:$0x0] =	wrdreg $0x60  }
0xae: {  	[dreg:$0x2] =	wrdreg s24  }
0xaf: {  	[dreg:$0x3] =	wrdreg s2  }
0xb0: {  	[dreg:$0x4] =	wrdreg $0x0  }
0xb1: {  	[dreg:$0x5] =	wrdreg $0x62200  }
0xb2: {  	[dreg:$0x6] =	wrdreg $0x9  }
0xb3: {  	_ =	task.clear_ibuf [dreg:s7], $0x7FFFF;
	_ =	strace $0x9000004C  }
0xb4: {  	s29 =	simm.s32 $0x9;
	_ =	strace $0x8000004E  }
0xb5: {  	_ =	swait.ge [sflag:s29], $0x1  }
0xb6: {  	[sflag:s29] =	ssyncadd.s32 $0xFFFFFFFF  }
0xb7: {  	_ =	strace $0x9000004E  }
0xb8: {  	_ =	sfence  }
0xb9: {  	s30 =	sld [smem:$0x0];
	_ =	sdelay $0x2  }
0xba: {  	s31 =	sshll.u32 s1, $0xD;
	s1 =	sshrl.u32 s1, $0x2  }
0xbb: {  	s3 =	sand.u32 $0x4000, s31;
	s1 =	sadd.s32 s1, s30  }
0xbc: {  	s0 =	sor.u32 s3, s0;
	s1 =	sshll.u32 s1, $0x11  }
0xbd: {  	s0 =	sor.u32 s1, s0  }
0xbe: {  	s0 =	sadd.s32 $0x8F2B, s0  }
0xbf: {  	[sflag:s0] =	ssyncadd.remote.s32 $0x1  }
0xc0: {  	_ =	sfence.sel $0xFFFF  }
0xc1: {  	[dreg:$0x0] =	wrdreg $0xFFFFFFFF;
	(pc) =	sbr.abs _section_cstart, $3  }
0xc2: {  	[dreg:$0x1] =	wrdreg $0xFFFFFFFF  }
0xc3: {  	_ =	task.clear_ibuf [dreg:s7], $0x2FFFF;
	_ =	strace $0x9FFFFFFF  }
0xc4: {  	(tm) =	ssettm $0x7FFFFFFF  }
0xc5: {  	_ =	shalt  }
tec
execute0_lowered:
.L_overlay_start_1:
0x0: {  	(tag) =	ssettag $0x1  }
0x1: {  	s0 =	rddreg [dreg:$0x0]  }
0x2: {  	s3 =	rddreg [dreg:$0x2]  }
0x3: {  	s4 =	rddreg [dreg:$0x3];
	s11 =	stileid.u32  }
0x4: {  	s5 =	simm.s32 $0x0;
	s2 =	srdreg.scid;
	s13 =	simm.s32 $0x3  }
0x5: {  	s15 =	simm.s32 $0xC440;
	s16 =	simm.s32 $0xEBC0;
	s17 =	simm.s32 $0x80  }
0x6: {  	s18 =	simm.s32 $0x11340;
	s20 =	simm.s32 $0x12740;
	s28 =	simm.s32 $0x1  }
0x7: {  	s31 =	simm.s32 $0xEC40;
	s19 =	simm.s32 $0x0;
	s1 =	smul.u32 $0x6220, s11  }
0x8: {  	s2 =	sand.u32 $0x1, s2;
	s6 =	sshll.u32 s11, $0x1;
	s7 =	smul.u32 $0xC44, s11  }
0x9: {  	[smem:$0x7FF] =	sst s5;
	s30 =	sshll.u32 s11, $0x6;
	s6 =	sor.u32 s2, s6  }
0xa: {  	s8 =	smul.u32 $0xC800, s2;
	_ =	strace $0x8000004D;
	s2 =	ssub.s32 $0x2, s2  }
0xb: {  	s9 =	sshrl.u32 s1, $0x3;
	s6 =	smul.u32 $0x4F0, s6;
	s29 =	sshrl.u32 s2, $0x1  }
0xc: {  	s12 =	sadd.s32 s1, s3;
	s1 =	sadd.s32 s1, s4;
	s9 =	sadd.s32 s9, s0  }
0xd: {  	s7 =	sadd.s32 s7, s8;
	s2 =	ssub.s32 s2, s29;
	s12 =	sshrl.u32 s12, $0x3  }
0xe: {  	s14 =	sshrl.u32 s1, $0x3;
	s1 =	simm.s32 $0x18B40;
	s10 =	sadd.s32 s6, s0  }
0xf: {  	s0 =	sadd.s32 s7, s0;
	s6 =	sadd.s32 $0x15400, s9;
	s7 =	sor.u32 $0x1C03, s30  }
0x10: {  	s11 =	smax.u32 s2, $0x1;
	s2 =	simm.s32 $0x2;
	s8 =	sadd.s32 $0xB600, s10  }
0x11: {  	s9 =	sadd.s32 $0x1000, s10;
	s10 =	sadd.s32 $0x21C00, s0;
	s0 =	simm.s32 $0xC740  }
.LBB2_1:
0x12: {  	[spmem:s12], [sflag:s7] =	dma.local [hbm:s6], $0xC44  }
0x13: {  	_ =	swait.ge [sflag:s13], $0xC44  }
0x14: {  	[sflag:s13] =	ssyncset.done $0x0  }
0x15: {  	[sflag:s13] =	ssyncadd.s32 $0xFFFFF3BC  }
0x16: {  	s21 =	rddreg [dreg:$0x1]  }
0x17: {  	[spmem:s14], [sflag:s7] =	dma.local [hbm:s21], $0xC44  }
0x18: {  	_ =	swait.ge [sflag:s13], $0xC44  }
0x19: {  	[sflag:s13] =	ssyncset.done $0x0  }
0x1a: {  	[sflag:s13] =	ssyncadd.s32 $0xFFFFF3BC  }
0x1b: {  	[tilespmem:s15], [sflag:$0x3] =	stream.linear.gather [hbm4b:s8+s5], $0x2780, $0x38;
	[tilespmem:$0x1B340] =	vst v63  }
0x1c: {  	_ =	swait.ge [sflag:s13], $0x2780  }
0x1d: {  	[sflag:s13] =	ssyncset.done $0x0  }
0x1e: {  	[sflag:s13] =	ssyncadd.s32 $0xFFFFD880  }
0x1f: {  	[tilespmem:s16], [sflag:$0x3] =	stream.linear.gather [hbm4b:s9+s5], $0x2780, $0x38;
	[tilespmem:$0x1B340] =	vst v63  }
0x20: {  	_ =	swait.ge [sflag:s13], $0x2780  }
0x21: {  	[sflag:s13] =	ssyncset.done $0x0  }
0x22: {  	[sflag:s13] =	ssyncadd.s32 $0xFFFFD880  }
0x23: {  	[bflag:$0x0] =	sbarrier.arrive $0xFFFF  }
0x24: {  	[tilespmem:s18], [sflag:$0x1] =	stream.indirect.gather [spmem:s3], $0x28, s15, s17, $0xb8;
	[tilespmem:$0x1B340] =	vst v63  }
0x25: {  	s29 =	simm.s32 $0xC4C0  }
0x26: {  	[tilespmem:s20], [sflag:$0x1] =	stream.indirect.gather [spmem:s3], $0x28, s29, s17, $0xb8;
	[tilespmem:$0x1B340] =	vst v63  }
0x27: {  	s30 =	simm.s32 $0xC540;
	s22 =	simm.s32 $0x13B40  }
0x28: {  	[tilespmem:s22], [sflag:$0x1] =	stream.indirect.gather [spmem:s3], $0x28, s30, s17, $0xb8;
	[tilespmem:$0x1B340] =	vst v63  }
0x29: {  	s23 =	simm.s32 $0x14F40;
	s22 =	simm.s32 $0xC5C0  }
0x2a: {  	[tilespmem:s23], [sflag:$0x1] =	stream.indirect.gather [spmem:s3], $0x28, s22, s17, $0xb8;
	[tilespmem:$0x1B340] =	vst v63  }
0x2b: {  	s24 =	simm.s32 $0xC640;
	s25 =	simm.s32 $0x16340  }
0x2c: {  	[tilespmem:s25], [sflag:$0x1] =	stream.indirect.gather [spmem:s3], $0x28, s24, s17, $0xb8;
	[tilespmem:$0x1B340] =	vst v63  }
0x2d: {  	_ =	swait.ge [sflag:s28], $0x1400  }
0x2e: {  	[sflag:s28] =	ssyncset.done $0x0  }
0x2f: {  	[sflag:s28] =	ssyncadd.s32 $0xFFFFEC00  }
0x30: {  	[spmem:s4] =	stream.indirect.scatter.add.f32 [tilespmem:s18], [sflag:$0x2], $0x28, s16, s17, $0xb8;
	[tilespmem:$0x1B340] =	vst v63  }
0x31: {  	s26 =	simm.s32 $0xC6C0;
	s29 =	simm.s32 $0x17740  }
0x32: {  	[tilespmem:s29], [sflag:$0x1] =	stream.indirect.gather [spmem:s3], $0x28, s26, s17, $0xb8;
	[tilespmem:$0x1B340] =	vst v63  }
0x33: {  	_ =	swait.ge [sflag:s28], $0x1400  }
0x34: {  	s30 =	simm.s32 $0x2;
	[sflag:s28] =	ssyncset.done $0x0  }
0x35: {  	s21 =	sand.u32 $0x7, s30;
	[sflag:s28] =	ssyncadd.s32 $0xFFFFEC00  }
0x36: {  	[spmem:s4] =	stream.indirect.scatter.add.f32 [tilespmem:s20], [sflag:$0x2], $0x28, s31, s17, $0xb8;
	[tilespmem:$0x1B340] =	vst v63  }
0x37: {  	p0 =	por $0x0, $0x0;
	s23 =	smul.u32 $0x5000, s21  }
0x38: {  	[tilespmem:s1], [sflag:$0x1] =	stream.indirect.gather [spmem:s3], $0x28, s0, s17, $0xb8;
	[tilespmem:$0x1B340] =	vst v63  }
0x39: {  	s22 =	simm.s32 $0x7;
	s24 =	simm.s32 $0xECC0;
	_ =	swait.ge [sflag:s28], $0x1400  }
0x3a: {  	s23 =	sshrl.u32 s23, $0x2;
	s25 =	sand.u32 @!p0 $0x7, s22;
	[sflag:s28] =	ssyncset.done $0x0  }
0x3b: {  	s23 =	sadd.s32 $0x11340, s23;
	s25 =	smul.u32 @!p0 $0x5000, s25;
	[sflag:s28] =	ssyncadd.s32 $0xFFFFEC00  }
0x3c: {  	[spmem:s4] =	stream.indirect.scatter.add.f32 [tilespmem:s23], [sflag:$0x2], $0x28, s24, s17, $0xb8;
	[tilespmem:$0x1B340] =	vst v63  }
0x3d: {  	s21 =	simm.s32 $0xC7C0;
	s22 =	simm.s32 $0x8;
	_ =	swait.ge [sflag:s2], $0x1400  }
0x3e: {  	s26 =	sshrl.u32 @!p0 s25, $0x2;
	s25 =	simm.s32 @!p0 $0x80;
	[sflag:s2] =	ssyncset.done $0x0  }
0x3f: {  	s23 =	simm.s32 $0xC840;
	s24 =	simm.s32 $0xED40;
	[sflag:s2] =	ssyncadd.s32 $0xFFFFEC00  }
.LBB2_2:
0x40: {  	s29 =	sadd.s32 $0xFFFFFFFB, s22  }
0x41: {  	s26 =	sadd.s32 @!p0 $0x11340, s26;
	s30 =	smov.u32 s22;
	s22 =	sadd.s32 $0x1, s22  }
0x42: {  	[tilespmem:s26], [sflag:$0x1] =	stream.indirect.gather @!p0 [spmem:s3], $0x28, s21, s25, $0xb8;
	[tilespmem:$0x1B340] =	vst v63  }
0x43: {  	s25 =	sand.u32 $0x7, s29;
	p1 =	sne.s32 s22, $0x54;
	s21 =	smov.u32 s23  }
0x44: {  	s25 =	smul.u32 $0x5000, s25  }
0x45: {  	p0 =	sgt.u32 s29, $0x49;
	_ =	swait.ge [sflag:s28], $0x1400  }
0x46: {  	s26 =	sand.u32 @!p0 $0x7, s30;
	s25 =	sshrl.u32 s25, $0x2;
	[sflag:s28] =	ssyncset.done $0x0  }
.Ltmp0:
0x47: {  	s25 =	sadd.s32 $0x11340, s25;
	[sflag:s28] =	ssyncadd.s32 $0xFFFFEC00;
	(pc) =	sbr.rel @p1 .LBB2_2-.Ltmp0, $4  }
0x48: {  	[spmem:s4] =	stream.indirect.scatter.add.f32 [tilespmem:s25], [sflag:$0x2], $0x28, s24, s17, $0xb8;
	[tilespmem:$0x1B340] =	vst v63  }
0x49: {  	s25 =	smul.u32 @!p0 $0x5000, s26;
	_ =	swait.ge [sflag:s2], $0x1400  }
0x4a: {  	s23 =	sadd.s32 $0x80, s23;
	s24 =	sadd.s32 $0x80, s24;
	[sflag:s2] =	ssyncset.done $0x0  }
0x4b: {  	s26 =	sshrl.u32 @!p0 s25, $0x2;
	s25 =	simm.s32 @!p0 $0x80;
	[sflag:s2] =	ssyncadd.s32 $0xFFFFEC00  }
0x4c: {  	s22 =	sadd.s32 @!p0 $0x11340, s26  }
0x4d: {  	[tilespmem:s22], [sflag:$0x1] =	stream.indirect.gather @!p0 [spmem:s3], $0x28, s21, s25, $0xb8;
	[tilespmem:$0x1B340] =	vst v63  }
0x4e: {  	_ =	swait.ge [sflag:s2], $0x1400  }
0x4f: {  	[sflag:s2] =	ssyncset.done $0x0  }
0x50: {  	[sflag:s2] =	ssyncadd.s32 $0xFFFFEC00  }
0x51: {  	_ =	swait.ge [sflag:s2], $0x1400  }
0x52: {  	s19 =	sadd.s32 $0x1, s19;
	[sflag:s2] =	ssyncset.done $0x0  }
0x53: {  	p0 =	sne.s32 s19, s11;
	[sflag:s2] =	ssyncadd.s32 $0xFFFFEC00  }
.Ltmp1:
0x54: {  	[bflag:$0x0] =	sbarrier.arrive $0xFFFF;
	(pc) =	sbr.rel @p0 .LBB2_1-.Ltmp1, $4  }
0x55: {  	[hbm:s10], [sflag:s7] =	dma.local [spmem:s14], $0xC44  }
0x56: {  	_ =	swait.ge [sflag:s13], $0xC44  }
0x57: {  	[sflag:s13] =	ssyncset.done $0x0  }
0x58: {  	[sflag:s13] =	ssyncadd.s32 $0xFFFFF3BC  }
0x59: {  	_ =	sfence.sel $0x180000  }
0x5a: {  	[bflag:$0x0] =	sbarrier.arrive $0xFFFF  }
0x5b: {  	_ =	strace $0x9000004D  }
0x5c: {  	s0 =	stileid.u32;
	[bflag:$0x2] =	sbarrier.arrive $0xFFFF  }
0x5d: {  	p0 =	sne.s32 s0, $0x0;
	s0 =	rddreg [dreg:$0x4]  }
0x5e: {  	s0 =	sadd.s32 @!p0 $0x100000, s0  }
0x5f: {  	[sflag:s0] =	ssyncadd.tile.s32 @!p0 $0x1;
	_ =	shalt  }
.Lfunc_end2:
_tile_overlayer_lowered:
.L_overlay_start_2:
0x60: {  	(tag) =	ssettag $0x2  }
0x61: {  	s0 =	rddreg [dreg:$0x0];
	s2 =	stileid.u32  }
0x62: {  	s1 =	rddreg [dreg:$0x1];
	p0 =	sne.s32 s2, $0x0  }
0x63: {  	s3 =	rddreg [dreg:$0x2];
	[bflag:$0x3] =	sbarrier.arrive $0xFFFF;
	s2 =	simm.s32 @!p0 $0x1C03  }
0x64: {  	[timem:s3], [sflag:s2] =	dma.local @!p0 [hbm:s0], s1  }
0x65: {  	s0 =	simm.s32 @!p0 $0x3  }
0x66: {  	_ =	swait.ge @!p0 [sflag:s0], s1  }
0x67: {  	s1 =	ssub.s32 @!p0 $0x0, s1;
	[sflag:s0] =	ssyncset.done @!p0 $0x0  }
0x68: {  	[sflag:s0] =	ssyncadd.s32 @!p0 s1  }
0x69: {  	[bflag:$0x3] =	sbarrier.arrive $0xFFFF  }
0x6a: {  	_ =	shalt  }

// kernel: kernel.8.cloned.1.call-start
scs
__scs_entry_jumppad:
0x0: {  	(pc) =	sbr.rel $0x88, $3  }
0x1: {  	(tag) =	ssettag $0x0;
	lr =	simm.s32 $0x1  }
0x2: {  	[smem:$0x3F9D] =	sst lr;
	_ =	strace $0xD0000000  }
0x3: {  	_ = 	snop  }
0x4: {  	_ = 	snop  }
0x5: {  	_ = 	snop  }
0x6: {  	_ = 	snop  }
0x7: {  	_ = 	snop  }
__scs_overlays_trampoline_lowered:
0x8: {  	[smem:$0x3FAC] =	sst s0  }
0x9: {  	[smem:$0x3FAD] =	sst s1  }
0xa: {  	[smem:$0x3FAE] =	sst s2  }
0xb: {  	[smem:$0x3FAF] =	sst s3  }
0xc: {  	[smem:$0x3FB0] =	sst s4  }
0xd: {  	[smem:$0x3FB1] =	sst s5  }
0xe: {  	[smem:$0x3FB2] =	sst s6  }
0xf: {  	[smem:$0x3FB3] =	sst s7  }
0x10: {  	[smem:$0x3FB4] =	sst s8  }
0x11: {  	[smem:$0x3FB5] =	sst s9;
	s0 =	simm.s32 @!p0 $0x0  }
0x12: {  	s1 =	sld [smem:$0x3F9B];
	s0 =	simm.s32 @p0 $0x1  }
0x13: {  	[smem:$0x3FB6] =	sst s0;
	s0 =	simm.s32 @!p1 $0x0  }
0x14: {  	s2 =	sld [smem:$0x3F9A];
	s0 =	simm.s32 @p1 $0x1  }
0x15: {  	[smem:$0x3FB7] =	sst s0;
	s0 =	simm.s32 @!p2 $0x0  }
0x16: {  	s3 =	sld [smem:$0x3FDB];
	s0 =	simm.s32 @p2 $0x1  }
0x17: {  	s4 =	simm.s32 $0x1BF5;
	[smem:$0x3FB9] =	sst s0  }
0x18: {  	s0 =	sld [smem:$0x3F9C];
	_ =	swait.ge [sflag:s4], $0x0  }
0x19: {  	s7 =	sld [smem:$0x3F9D]  }
0x1a: {  	s8 =	sadd.s32 $0xFFFFE003, lr  }
0x1b: {  	s9 =	sadd.s32 $0xFFFFFEF7, lr;
	s5 =	simm.s32 $0xFFFFFFFF;
	p2 =	slt.u32 s8, $0xFFFFF086  }
0x1c: {  	p1 =	slt.u32 s9, $0xF7A;
	s5 =	simm.s32 @!p2 $0x0  }
0x1d: {  	s5 =	simm.s32 @p1 $0x1;
	p0 =	seq.s32 s7, s2  }
0x1e: {  	s7 =	smul.u32 @!p0 $0xF7A, s2;
	p2 =	seq.s32 @!p0 s5, $0x0  }
0x1f: {  	s9 =	smul.u32 $0xF7A, s1;
	s8 =	simm.s32 @!p0 $0x1BF5;
	p2 =	por !p2, p0  }
0x20: {  	[sflag:s8] =	ssyncset.s32 @!p0 $0xFFFFF086;
	s6 =	sadd.s32 @!p0 s3, s7;
	s7 =	simm.s32 @!p0 $0x108  }
0x21: {  	s3 =	sadd.s32 s3, s9;
	s6 =	sadd.s32 @!p0 $0x88, s6;
	s7 =	simm.s32 @p2 $0x1082  }
0x22: {  	[simem:s7], [sflag:s8] =	dma.local @!p0 [hbm:s6], $0xF7A  }
0x23: {  	s9 =	sor.u32 $0xD0000000, s2;
	s6 =	simm.s32 $0x108;
	_ =	swait.ge @!p0 [sflag:s8], $0x0  }
0x24: {  	s3 =	sadd.s32 $0x88, s3;
	s6 =	simm.s32 @!p1 $0x1082;
	[sflag:s4] =	ssyncset.s32 $0xFFFFF086  }
0x25: {  	[simem:s6], [sflag:s4] =	dma.local [hbm:s3], $0xF7A  }
0x26: {  	[smem:$0x3F9D] =	sst s1;
	(tag) =	ssettag s2;
	_ =	strace s9  }
0x27: {  	s1 =	sld [smem:$0x3FAD]  }
0x28: {  	s2 =	sld [smem:$0x3FAE]  }
0x29: {  	s4 =	sld [smem:$0x3FB0]  }
0x2a: {  	p0 =	seq.s32 s5, $0x0;
	s5 =	sld [smem:$0x3FB1]  }
0x2b: {  	s6 =	sld [smem:$0x3FB2]  }
0x2c: {  	s7 =	sld [smem:$0x3FB3]  }
0x2d: {  	s3 =	simm.s32 $0x108;
	s8 =	sld [smem:$0x3FB4]  }
0x2e: {  	s3 =	simm.s32 @!p0 $0x1082;
	s9 =	sld [smem:$0x3FB5]  }
0x2f: {  	lr =	sadd.s32 s0, s3;
	s0 =	sld [smem:$0x3FAC]  }
0x30: {  	s3 =	sld [smem:$0x3FAF]  }
0x31: {  	[smem:$0x3FB8] =	sst s10  }
0x32: {  	s10 =	sld [smem:$0x3FB6];
	_ =	sdelay $0x3  }
0x33: {  	p0 =	seq.s32 s10, $0x1;
	s10 =	sld [smem:$0x3FB8];
	_ =	sdelay $0x3  }
0x34: {  	[smem:$0x3FB8] =	sst s10  }
0x35: {  	s10 =	sld [smem:$0x3FB7];
	_ =	sdelay $0x3  }
0x36: {  	p1 =	seq.s32 s10, $0x1;
	s10 =	sld [smem:$0x3FB8];
	_ =	sdelay $0x3  }
0x37: {  	[smem:$0x3FB8] =	sst s10  }
0x38: {  	s10 =	sld [smem:$0x3FB9]  }
0x39: {  	_ = 	snop;
	(pc) =	sbr.ind lr, $3  }
0x3a: {  	_ = 	snop  }
0x3b: {  	_ = 	snop  }
0x3c: {  	p2 =	seq.s32 s10, $0x1;
	s10 =	sld [smem:$0x3FB8]  }
0x3d: {  	_ =	shalt  }
0x3e: {  	_ =	shalt  }
0x3f: {  	_ =	shalt  }
0x40: {  	_ =	shalt  }
0x41: {  	_ =	shalt  }
0x42: {  	_ =	shalt  }
0x43: {  	_ =	shalt  }
0x44: {  	_ =	shalt  }
0x45: {  	_ =	shalt  }
0x46: {  	_ =	shalt  }
0x47: {  	_ =	shalt  }
0x48: {  	_ =	shalt  }
0x49: {  	_ =	shalt  }
0x4a: {  	_ =	shalt  }
0x4b: {  	_ =	shalt  }
0x4c: {  	_ =	shalt  }
0x4d: {  	_ =	shalt  }
0x4e: {  	_ =	shalt  }
0x4f: {  	_ =	shalt  }
0x50: {  	_ =	shalt  }
0x51: {  	_ =	shalt  }
0x52: {  	_ =	shalt  }
0x53: {  	_ =	shalt  }
0x54: {  	_ =	shalt  }
0x55: {  	_ =	shalt  }
0x56: {  	_ =	shalt  }
0x57: {  	_ =	shalt  }
0x58: {  	_ =	shalt  }
0x59: {  	_ =	shalt  }
0x5a: {  	_ =	shalt  }
0x5b: {  	_ =	shalt  }
0x5c: {  	_ =	shalt  }
0x5d: {  	_ =	shalt  }
0x5e: {  	_ =	shalt  }
0x5f: {  	_ =	shalt  }
0x60: {  	_ =	shalt  }
0x61: {  	_ =	shalt  }
0x62: {  	_ =	shalt  }
0x63: {  	_ =	shalt  }
0x64: {  	_ =	shalt  }
0x65: {  	_ =	shalt  }
0x66: {  	_ =	shalt  }
0x67: {  	_ =	shalt  }
0x68: {  	_ =	shalt  }
0x69: {  	_ =	shalt  }
0x6a: {  	_ =	shalt  }
0x6b: {  	_ =	shalt  }
0x6c: {  	_ =	shalt  }
0x6d: {  	_ =	shalt  }
0x6e: {  	_ =	shalt  }
0x6f: {  	_ =	shalt  }
0x70: {  	_ =	shalt  }
0x71: {  	_ =	shalt  }
0x72: {  	_ =	shalt  }
0x73: {  	_ =	shalt  }
0x74: {  	_ =	shalt  }
0x75: {  	_ =	shalt  }
0x76: {  	_ =	shalt  }
0x77: {  	_ =	shalt  }
0x78: {  	_ =	shalt  }
0x79: {  	_ =	shalt  }
0x7a: {  	_ =	shalt  }
0x7b: {  	_ =	shalt  }
0x7c: {  	_ =	shalt  }
0x7d: {  	_ =	shalt  }
0x7e: {  	_ =	shalt  }
0x7f: {  	_ =	shalt  }
0x80: {  	_ =	shalt  }
0x81: {  	_ =	shalt  }
0x82: {  	_ =	shalt  }
0x83: {  	_ =	shalt  }
0x84: {  	_ =	shalt  }
0x85: {  	_ =	shalt  }
0x86: {  	_ =	shalt  }
0x87: {  	_ =	shalt  }
.Lfunc_end0:
.L_simem_size_0:
called_computation_lowered:
.L_overlay_start_0:
0x88: {  	s2 =	sld [smem:$0x3FD9]  }
0x89: {  	s3 =	sld [smem:$0x3FFE];
	_ =	sdelay $0x1  }
0x8a: {  	s1 =	srdreg.scid  }
0x8b: {  	s0 =	sand.u32 $0x1, s1  }
0x8c: {  	s17 =	sshll.u32 s0, $0xA;
	s2 =	sadd.s32 s3, s2  }
0x8d: {  	s2 =	sadd.s32 s2, s17  }
0x8e: {  	[smem:$0x3FC4] =	sst s2  }
0x8f: {  	_ = 	snop  }
0x90: {  	s2 =	sld [smem:$0x3FD0];
	(tm) =	ssettm $0x1  }
0x91: {  	s18 =	sld [smem:$0x3FFB];
	_ =	sdelay $0x3  }
0x92: {  	_ =	strace s18  }
0x93: {  	s3 =	sld [smem:$0x3FFC];
	_ =	sdelay $0x3  }
0x94: {  	_ =	strace s3  }
0x95: {  	s3 =	sld [smem:$0x3FFD];
	_ =	sdelay $0x3  }
0x96: {  	_ =	strace s3  }
0x97: {  	_ =	strace $0x8FFFFFFF  }
0x98: {  	s19 =	sld [smem:$0x3FDB];
	_ =	sdelay $0x1  }
0x99: {  	s4 =	simm.s32 $_scs_section_size  }
0x9a: {  	s5 =	simm.s32 $_size__tile_overlayer_lowered;
	s6 =	simm.s32 $_tile_overlayer_lowered  }
0x9b: {  	s22 =	simm.s32 $0x1BFF;
	s21 =	sshll.u32 s6, $0x1;
	s3 =	sadd.s32 s4, s19  }
0x9c: {  	s7 =	simm.s32 $0x0;
	s20 =	sshll.u32 s5, $0x1;
	s5 =	sadd.s32 s21, s3  }
0x9d: {  	[timem:s7], [sflag:s22] =	dma.local [hbm:s5], s20  }
0x9e: {  	_ =	swait.ge [sflag:s22], s20  }
0x9f: {  	s4 =	ssub.s32 $0x0, s20;
	[sflag:s22] =	ssyncset.done $0x0  }
0xa0: {  	[sflag:s22] =	ssyncadd.s32 s4;
	_ =	sdelay $0x1  }
0xa1: {  	s23 =	simm.s32 $0x1B8B  }
0xa2: {  	_ =	swait.ge [sflag:s23], $0x1  }
0xa3: {  	[sflag:s23] =	ssyncset.done $0x0  }
0xa4: {  	s25 =	simm.s32 $0x1B8E;
	s24 =	sld [smem:$0x3FFE];
	[sflag:s23] =	ssyncadd.s32 $0xFFFFFFFF  }
0xa5: {  	s26 =	simm.s32 $execute0_lowered;
	[smem:$0x3FD2] =	sst s25  }
0xa6: {  	s5 =	sshll.u32 s26, $0x1;
	_ =	strace $0x80000046;
	[dreg:$0x1] =	wrdreg $0xFFFFFFFF  }
0xa7: {  	s28 =	simm.s32 $_size_execute0_lowered;
	s3 =	sadd.s32 s3, s5;
	[dreg:$0x0] =	wrdreg $0x0  }
0xa8: {  	s5 =	sshll.u32 s28, $0x1;
	[dreg:$0x2] =	wrdreg s3  }
0xa9: {  	[dreg:$0x3] =	wrdreg s5  }
0xaa: {  	[dreg:$0x4] =	wrdreg $0xC0  }
0xab: {  	_ =	task [dreg:s7], $0x5FFFF  }
0xac: {  	[dreg:$0x1] =	wrdreg $0xFFFFFFFF  }
0xad: {  	[dreg:$0x0] =	wrdreg $0x60  }
0xae: {  	[dreg:$0x2] =	wrdreg s24  }
0xaf: {  	[dreg:$0x3] =	wrdreg s2  }
0xb0: {  	[dreg:$0x4] =	wrdreg $0x0  }
0xb1: {  	[dreg:$0x5] =	wrdreg $0x9  }
0xb2: {  	_ =	task.clear_ibuf [dreg:s7], $0x6FFFF;
	_ =	strace $0x90000046  }
0xb3: {  	s29 =	simm.s32 $0x9;
	_ =	strace $0x80000048  }
0xb4: {  	_ =	swait.ge [sflag:s29], $0x1  }
0xb5: {  	[sflag:s29] =	ssyncadd.s32 $0xFFFFFFFF  }
0xb6: {  	_ =	strace $0x90000048  }
0xb7: {  	_ =	sfence  }
0xb8: {  	s30 =	sld [smem:$0x0];
	_ =	sdelay $0x2  }
0xb9: {  	s31 =	sshll.u32 s1, $0xD;
	s1 =	sshrl.u32 s1, $0x2  }
0xba: {  	s3 =	sand.u32 $0x4000, s31;
	s1 =	sadd.s32 s1, s30  }
0xbb: {  	s0 =	sor.u32 s3, s0;
	s1 =	sshll.u32 s1, $0x11  }
0xbc: {  	s0 =	sor.u32 s1, s0  }
0xbd: {  	s0 =	sadd.s32 $0x8F2B, s0  }
0xbe: {  	[sflag:s0] =	ssyncadd.remote.s32 $0x1  }
0xbf: {  	_ =	sfence.sel $0xFFFF  }
0xc0: {  	[dreg:$0x0] =	wrdreg $0xFFFFFFFF;
	(pc) =	sbr.abs _section_cstart, $3  }
0xc1: {  	[dreg:$0x1] =	wrdreg $0xFFFFFFFF  }
0xc2: {  	_ =	task.clear_ibuf [dreg:s7], $0x2FFFF;
	_ =	strace $0x9FFFFFFF  }
0xc3: {  	(tm) =	ssettm $0x7FFFFFFF  }
tec
execute0_lowered:
.L_overlay_start_1:
0x0: {  	(tag) =	ssettag $0x1  }
0x1: {  	s5 =	rddreg [dreg:$0x0];
	s1 =	srdreg.scid  }
0x2: {  	s0 =	stileid.u32;
	s8 =	rddreg [dreg:$0x1]  }
0x3: {  	s2 =	rddreg [dreg:$0x2];
	s3 =	simm.s32 $0x0;
	s13 =	simm.s32 $0x80  }
0x4: {  	s14 =	simm.s32 $0x1;
	s17 =	simm.s32 $0x0;
	s6 =	sand.u32 $0x1, s1  }
0x5: {  	s29 =	sshll.u32 s0, $0x1;
	s1 =	rddreg [dreg:$0x3];
	s7 =	smul.u32 $0x4E8, s0  }
0x6: {  	[smem:$0x7FF] =	sst s3;
	s10 =	smul.u32 $0x9D00, s0;
	s15 =	sshll.u32 s0, $0x6  }
0x7: {  	s4 =	sor.u32 s6, s29;
	_ =	strace $0x80000047;
	s11 =	ssub.s32 $0x2, s6  }
0x8: {  	s12 =	smul.u32 $0x5000, s6;
	s15 =	sor.u32 $0x1C02, s15;
	s30 =	sshrl.u32 s11, $0x1  }
0x9: {  	s4 =	smul.u32 $0x4F0, s4;
	s10 =	sshrl.u32 s10, $0x2;
	s11 =	ssub.s32 s11, s30  }
0xa: {  	s6 =	sadd.s32 s10, s2;
	s31 =	sadd.s32 s7, s12;
	s10 =	simm.s32 $0x2740  }
0xb: {  	s12 =	simm.s32 $0x56C0;
	s9 =	sadd.s32 s4, s5;
	s4 =	sadd.s32 $0xAE00, s5  }
0xc: {  	s5 =	sadd.s32 $0xB000, s5;
	s8 =	sadd.s32 s8, s31;
	s16 =	sshrl.u32 s6, $0x3  }
0xd: {  	s7 =	sadd.s32 $0x1000, s9;
	s9 =	smax.u32 s11, $0x1;
	s11 =	simm.s32 $0x2  }
.LBB2_1:
0xe: {  	[tilespmem:s10], [sflag:$0x2] =	stream.linear.gather [hbm4b:s4+s3], $0x800, $0x38;
	[tilespmem:$0x7E00] =	vst v63  }
0xf: {  	_ =	swait.ge [sflag:s11], $0x800  }
0x10: {  	[sflag:s11] =	ssyncset.done $0x0  }
0x11: {  	[sflag:s11] =	ssyncadd.s32 $0xFFFFF800  }
0x12: {  	[tilespmem:s12], [sflag:$0x2] =	stream.linear.gather [hbm4b:s5+s3], $0x2740, $0x38;
	[tilespmem:$0x7E00] =	vst v63  }
0x13: {  	_ =	swait.ge [sflag:s11], $0x2740  }
0x14: {  	[sflag:s11] =	ssyncset.done $0x0  }
0x15: {  	[sflag:s11] =	ssyncadd.s32 $0xFFFFD8C0  }
0x16: {  	[spmem:s6] =	stream.linear.scatter [tilespmem:s12], [sflag:$0x2], $0x2740, $0x38;
	[tilespmem:$0x7E00] =	vst v63  }
0x17: {  	_ =	swait.ge [sflag:s11], $0x2740  }
0x18: {  	[sflag:s11] =	ssyncset.done $0x0  }
0x19: {  	s18 =	simm.s32 $0x2F40;
	[sflag:s11] =	ssyncadd.s32 $0xFFFFD8C0  }
0x1a: {  	[tilespmem:s18], [sflag:$0x2] =	stream.linear.gather [hbm4b:s7+s3], $0x2780, $0x38;
	[tilespmem:$0x7E00] =	vst v63  }
0x1b: {  	_ =	swait.ge [sflag:s11], $0x2780  }
0x1c: {  	[sflag:s11] =	ssyncset.done $0x0  }
0x1d: {  	p0 =	por $0x1, $0x1;
	[sflag:s11] =	ssyncadd.s32 $0xFFFFD880  }
0x1e: {  	s20 =	simm.s32 @!p0 $0x1;
	[bflag:$0x0] =	sbarrier.arrive $0xFFFF  }
0x1f: {  	_ =	swait.ge @!p0 [sflag:s20], $0x800  }
0x20: {  	[sflag:s20] =	ssyncset.done @!p0 $0x0  }
0x21: {  	s19 =	simm.s32 $0x1;
	[sflag:s20] =	ssyncadd.s32 @!p0 $0xFFFFF800;
	s20 =	simm.s32 $0x2FC0  }
.LBB2_2:
0x22: {  	[spmem:s2] =	stream.indirect.scatter.add.f32 [tilespmem:s10], [sflag:$0x1], $0x10, s18, s13, $0xb8;
	[tilespmem:$0x7E00] =	vst v63  }
0x23: {  	p0 =	slt.u32 s19, $0x8;
	s19 =	sadd.s32 $0x1, s19  }
0x24: {  	p1 =	sne.s32 s19, $0x4F  }
.Ltmp0:
0x25: {  	(pc) =	sbr.rel @p1 .LBB2_2-.Ltmp0, $4  }
0x26: {  	s18 =	smov.u32 s20;
	s21 =	simm.s32 @!p0 $0x1  }
0x27: {  	_ =	swait.ge @!p0 [sflag:s21], $0x800  }
0x28: {  	[sflag:s21] =	ssyncset.done @!p0 $0x0  }
0x29: {  	s20 =	sadd.s32 $0x80, s20;
	[sflag:s21] =	ssyncadd.s32 @!p0 $0xFFFFF800  }
0x2a: {  	[spmem:s2] =	stream.indirect.scatter.add.f32 [tilespmem:s10], [sflag:$0x1], $0x10, s18, s13, $0xb8;
	[tilespmem:$0x7E00] =	vst v63  }
0x2b: {  	_ =	swait.ge [sflag:s14], $0x800  }
0x2c: {  	[sflag:s14] =	ssyncset.done $0x0  }
0x2d: {  	[sflag:s14] =	ssyncadd.s32 $0xFFFFF800  }
0x2e: {  	_ =	swait.ge [sflag:s14], $0x800  }
0x2f: {  	[sflag:s14] =	ssyncset.done $0x0  }
0x30: {  	[sflag:s14] =	ssyncadd.s32 $0xFFFFF800  }
0x31: {  	_ =	swait.ge [sflag:s14], $0x800  }
0x32: {  	[sflag:s14] =	ssyncset.done $0x0  }
0x33: {  	[sflag:s14] =	ssyncadd.s32 $0xFFFFF800  }
0x34: {  	_ =	swait.ge [sflag:s14], $0x800  }
0x35: {  	[sflag:s14] =	ssyncset.done $0x0  }
0x36: {  	[sflag:s14] =	ssyncadd.s32 $0xFFFFF800  }
0x37: {  	_ =	swait.ge [sflag:s14], $0x800  }
0x38: {  	[sflag:s14] =	ssyncset.done $0x0  }
0x39: {  	[sflag:s14] =	ssyncadd.s32 $0xFFFFF800  }
0x3a: {  	_ =	swait.ge [sflag:s14], $0x800  }
0x3b: {  	[sflag:s14] =	ssyncset.done $0x0  }
0x3c: {  	[sflag:s14] =	ssyncadd.s32 $0xFFFFF800  }
0x3d: {  	_ =	swait.ge [sflag:s14], $0x800  }
0x3e: {  	[sflag:s14] =	ssyncset.done $0x0  }
0x3f: {  	[sflag:s14] =	ssyncadd.s32 $0xFFFFF800  }
0x40: {  	_ =	swait.ge [sflag:s14], $0x800  }
0x41: {  	s17 =	sadd.s32 $0x1, s17;
	[sflag:s14] =	ssyncset.done $0x0  }
0x42: {  	p0 =	sne.s32 s17, s9;
	[sflag:s14] =	ssyncadd.s32 $0xFFFFF800  }
.Ltmp1:
0x43: {  	[bflag:$0x0] =	sbarrier.arrive $0xFFFF;
	(pc) =	sbr.rel @p0 .LBB2_1-.Ltmp1, $4  }
0x44: {  	[hbm:s8], [sflag:s15] =	dma.local [spmem:s16], $0x4E8  }
0x45: {  	_ =	swait.ge [sflag:s11], $0x4E8  }
0x46: {  	[sflag:s11] =	ssyncset.done $0x0  }
0x47: {  	[sflag:s11] =	ssyncadd.s32 $0xFFFFFB18  }
0x48: {  	_ =	sfence.sel $0x180000  }
0x49: {  	[bflag:$0x0] =	sbarrier.arrive $0xFFFF  }
0x4a: {  	p0 =	sne.s32 s0, $0x0;
	_ =	strace $0x90000047  }
0x4b: {  	s0 =	sadd.s32 @!p0 $0x100000, s1;
	[bflag:$0x2] =	sbarrier.arrive $0xFFFF  }
0x4c: {  	[sflag:s0] =	ssyncadd.tile.s32 @!p0 $0x1;
	_ =	shalt  }
.Lfunc_end2:
_tile_overlayer_lowered:
.L_overlay_start_2:
0x4d: {  	(tag) =	ssettag $0x2  }
0x4e: {  	s0 =	rddreg [dreg:$0x0];
	s2 =	stileid.u32  }
0x4f: {  	s1 =	rddreg [dreg:$0x1];
	p0 =	sne.s32 s2, $0x0  }
0x50: {  	s3 =	rddreg [dreg:$0x2];
	[bflag:$0x3] =	sbarrier.arrive $0xFFFF;
	s2 =	simm.s32 @!p0 $0x1C02  }
0x51: {  	[timem:s3], [sflag:s2] =	dma.local @!p0 [hbm:s0], s1  }
0x52: {  	s0 =	simm.s32 @!p0 $0x2  }
0x53: {  	_ =	swait.ge @!p0 [sflag:s0], s1  }
0x54: {  	s1 =	ssub.s32 @!p0 $0x0, s1;
	[sflag:s0] =	ssyncset.done @!p0 $0x0  }
0x55: {  	[sflag:s0] =	ssyncadd.s32 @!p0 s1  }
0x56: {  	[bflag:$0x3] =	sbarrier.arrive $0xFFFF  }
0x57: {  	_ =	shalt  }

</sc_bundles>
